<compile_context>
chip_gen: v7x
topology: tpu7x:2x2x1
jax: 0.10.2.dev20260603
libtpu: 0.0.44.dev20260713+nightly
codegen_flags: <defaults>
</compile_context>

<pallas_src>
import functools

import jax
import jax.numpy as jnp
from jax import lax
from jax.experimental import pallas as pl
from jax.experimental.pallas import tpu as pltpu
from jax.experimental.pallas import tpu_sc as plsc

_B = 16
_P = 4096
_S = 1024
_L = 16
_CH = _P // _L


def _fps_body(x_hbm, y_hbm, z_hbm, out_hbm, x_v, y_v, z_v, dist_v, idx_v):
    c = lax.axis_index("c")
    s = lax.axis_index("s")
    b = s

    @pl.when(c == 0)
    def _():
        lanes = lax.iota(jnp.int32, _L)
        pltpu.sync_copy(x_hbm.at[pl.ds(b * _P, _P)], x_v)
        pltpu.sync_copy(y_hbm.at[pl.ds(b * _P, _P)], y_v)
        pltpu.sync_copy(z_hbm.at[pl.ds(b * _P, _P)], z_v)

        def init_chunk(i, _):
            for u in range(8):
                dist_v[pl.ds(i * (8 * _L) + u * _L, _L)] = jnp.full(
                    (_L,), jnp.inf, jnp.float32)
            return 0

        lax.fori_loop(jnp.int32(0), jnp.int32(_CH // 8), init_chunk, 0)

        plsc.store_scatter(idx_v, [jnp.zeros((_L,), jnp.int32)],
                           jnp.full((_L,), b * _P, jnp.int32),
                           mask=lanes == 0)

        def outer(i, sel):
            selv = jnp.full((_L,), sel, jnp.int32)
            sx = plsc.load_gather(x_v, [selv])
            sy = plsc.load_gather(y_v, [selv])
            sz = plsc.load_gather(z_v, [selv])

            def chunk(k8, carry):
                rmaxs, ridxs = carry
                new_rmaxs, new_ridxs = [], []
                for u in range(8):
                    k = k8 * 8 + u
                    sl = pl.ds(k * _L, _L)
                    dx = x_v[sl] - sx
                    dy = y_v[sl] - sy
                    dz = z_v[sl] - sz
                    d = dx * dx + dy * dy + dz * dz
                    dmin = jnp.minimum(dist_v[sl], d)
                    dist_v[sl] = dmin
                    pred = dmin > rmaxs[u]
                    new_rmaxs.append(jnp.where(pred, dmin, rmaxs[u]))
                    new_ridxs.append(
                        jnp.where(pred, jnp.full((_L,), k, jnp.int32),
                                  ridxs[u]))
                return tuple(new_rmaxs), tuple(new_ridxs)

            neg = jnp.full((_L,), -1.0, jnp.float32)
            zero = jnp.zeros((_L,), jnp.int32)
            rmaxs, ridxs = plsc.parallel_loop(
                jnp.int32(0), jnp.int32(_CH // 8), jnp.int32(1),
                carry=((neg,) * 8, (zero,) * 8))(chunk)

            m8 = rmaxs[0]
            for u in range(1, 8):
                m8 = jnp.maximum(m8, rmaxs[u])
            m = jnp.max(m8)
            big = jnp.full((_L,), 2 ** 30, jnp.int32)
            cand = big
            for u in range(8):
                lin = ridxs[u] * _L + lanes
                cand = jnp.minimum(cand, jnp.where(rmaxs[u] == m, lin, big))
            nsel = jnp.min(cand)
            plsc.store_scatter(idx_v, [jnp.full((_L,), i, jnp.int32)],
                               jnp.full((_L,), b * _P + nsel, jnp.int32),
                               mask=lanes == 0)
            return nsel

        lax.fori_loop(jnp.int32(1), jnp.int32(_S), outer, jnp.int32(0))
        pltpu.sync_copy(idx_v, out_hbm.at[b])


_fps_kernel = functools.partial(
    pl.kernel,
    out_type=jax.ShapeDtypeStruct((_B, _S), jnp.int32),
    mesh=plsc.VectorSubcoreMesh(core_axis_name="c", subcore_axis_name="s",
                                num_cores=2, num_subcores=16),
    compiler_params=pltpu.CompilerParams(needs_layout_passes=False),
    scratch_types=[
        pltpu.VMEM((_P,), jnp.float32),
        pltpu.VMEM((_P,), jnp.float32),
        pltpu.VMEM((_P,), jnp.float32),
        pltpu.VMEM((_P,), jnp.float32),
        pltpu.VMEM((_S,), jnp.int32),
    ],
)(_fps_body)


def kernel(pos, batch):
    del batch
    x = pos[:, 0]
    y = pos[:, 1]
    z = pos[:, 2]
    idx = _fps_kernel(x, y, z)
    return idx.reshape(-1).astype(jnp.int64)

# --- scband reference (transcript-rebuilt; emitter-appended) ---
"""Pipeline reference for scband-fps-24850680775244 (READ-ONLY COPY).

The authoritative reference and input builder live on the scoring server;
editing this copy changes nothing except your own understanding.
"""

import jax, jax.numpy as jnp
import numpy as np

jax.config.update("jax_enable_x64", True)

B = 16      # number of point clouds (batch segments)
P = 4096    # points per cloud (equal-sized segments)
RATIO = 0.25
S = int(P * RATIO)  # samples per cloud = 1024


def setup_inputs(seed: int = 0) -> dict:
    key = jax.random.key(seed)
    pos = jax.random.normal(key, (B * P, 3), dtype=jnp.float32)
    # sorted, equal-sized batch assignment vector (torch_geometric convention)
    batch = jnp.repeat(jnp.arange(B, dtype=jnp.int64), P)
    return {"pos": pos, "batch": batch}


def _fps_batched(pos):
    pts = pos.reshape(B, P, 3)

    def single(p):  # p: [P, 3]
        # random_first=False -> deterministic start at first point of the segment
        d0 = jnp.sum((p - p[0]) ** 2, axis=-1)  # squared dist to start point
        idxs = jnp.zeros((S,), dtype=jnp.int64)  # idxs[0] = 0 (start point)

        def body(i, carry):
            dist, idxs = carry
            sel = jnp.argmax(dist)              # farthest point so far
            idxs = idxs.at[i].set(sel.astype(jnp.int64))
            d_new = jnp.sum((p - p[sel]) ** 2, axis=-1)
            dist = jnp.minimum(dist, d_new)     # min-dist to selected set
            return dist, idxs

        _, idxs = jax.lax.fori_loop(1, S, body, (d0, idxs))
        return idxs

    local = jax.vmap(single)(pts)  # [B, S] local indices within each cloud
    offsets = (jnp.arange(B, dtype=jnp.int64) * P)[:, None]
    return (local + offsets).reshape(-1)  # [B*S] global indices, batch-major


def reference(pos, batch):
    # Farthest point sampling per batch segment (segments are sorted and
    # equal-sized, as constructed in setup_inputs). Returns int64 indices
    # into pos, ordered by batch, matching fps_cpu(pos, batch, ratio, False).
    return _fps_batched(pos)

if __name__ == "__main__":
    import jax
    _d = setup_inputs()
    print(jax.jit(kernel)(*tuple(_d.values())))

</pallas_src>

<mosaic_0001>
#map = affine_map<(d0, d1) -> (0)>
#map1 = affine_map<(d0, d1) -> (0, 0)>
module attributes {stable_mosaic.version = 14 : i64} {
  func.func @_fps_body(%arg0: i32, %arg1: i32, %arg2: memref<65536xf32, #tpu.memory_space<hbm>>, %arg3: memref<65536xf32, #tpu.memory_space<hbm>>, %arg4: memref<65536xf32, #tpu.memory_space<hbm>>, %arg5: memref<16x1024xi32, #tpu.memory_space<hbm>>, %arg6: memref<4096xf32, #tpu.memory_space<vmem>>, %arg7: memref<4096xf32, #tpu.memory_space<vmem>>, %arg8: memref<4096xf32, #tpu.memory_space<vmem>>, %arg9: memref<4096xf32, #tpu.memory_space<vmem>>, %arg10: memref<1024xi32, #tpu.memory_space<vmem>>) attributes {dimension_semantics = [#tpu.dimension_semantics<core_parallel>, #tpu.dimension_semantics<subcore_parallel>], iteration_bounds = array<i64: 2, 16>, scalar_prefetch = 0 : i64, scratch_operands = 5 : i64, tpu.core_type = #tpu.core_type<sc_vector_subcore>, window_params = [{transform_indices = #map}, {transform_indices = #map}, {transform_indices = #map}, {transform_indices = #map1}]} {
    %eq3A = arith.constant 0 : i32
    %eq3A_0 = arith.cmpi eq, %arg0, %eq3A : i32
    %convert_element_type3A = arith.extui %eq3A_0 : i1 to i32
    %cond3A = arith.constant 0 : i32
    %cond3A_1 = arith.cmpi ne, %convert_element_type3A, %cond3A : i32
    scf.if %cond3A_1 {
      %iota3A = tpu.iota {dimensions = array<i32: 0>} : vector<16xi32>
      %mul3A = arith.constant 4096 : i32
      %mul3A_2 = arith.muli %arg1, %mul3A : i32
      "tpu.region"() ({
        %run_scoped3A = tpu.sem_alloc : memref<!tpu.dma_semaphore, #tpu.memory_space<semaphore_mem>>
        %dma_start3A = tpu.memref_slice %arg2[%mul3A_2] : memref<65536xf32, #tpu.memory_space<hbm>> -> memref<4096xf32, #tpu.memory_space<hbm>>
        %dma_start3A_39 = tpu.memref_slice %arg2[%mul3A_2] : memref<65536xf32, #tpu.memory_space<hbm>> -> memref<4096xf32, #tpu.memory_space<hbm>>
        tpu.enqueue_dma source(%dma_start3A_39 : memref<4096xf32, #tpu.memory_space<hbm>>) target(%arg6 : memref<4096xf32, #tpu.memory_space<vmem>>) target_semaphore(%run_scoped3A : memref<!tpu.dma_semaphore, #tpu.memory_space<semaphore_mem>>)
        %dma_wait3A = tpu.memref_slice %arg2[%mul3A_2] : memref<65536xf32, #tpu.memory_space<hbm>> -> memref<4096xf32, #tpu.memory_space<hbm>>
        %dma_wait3A_40 = tpu.memref_slice %arg2[%mul3A_2] : memref<65536xf32, #tpu.memory_space<hbm>> -> memref<4096xf32, #tpu.memory_space<hbm>>
        tpu.wait_dma2 semaphore(%run_scoped3A : memref<!tpu.dma_semaphore, #tpu.memory_space<semaphore_mem>>) src(%dma_wait3A_40 : memref<4096xf32, #tpu.memory_space<hbm>>) dst(%arg6 : memref<4096xf32, #tpu.memory_space<vmem>>)
        tpu.yield
      }) : () -> ()
      %mul3A_3 = arith.constant 4096 : i32
      %mul3A_4 = arith.muli %arg1, %mul3A_3 : i32
      "tpu.region"() ({
        %run_scoped3A = tpu.sem_alloc : memref<!tpu.dma_semaphore, #tpu.memory_space<semaphore_mem>>
        %dma_start3A = tpu.memref_slice %arg3[%mul3A_4] : memref<65536xf32, #tpu.memory_space<hbm>> -> memref<4096xf32, #tpu.memory_space<hbm>>
        %dma_start3A_39 = tpu.memref_slice %arg3[%mul3A_4] : memref<65536xf32, #tpu.memory_space<hbm>> -> memref<4096xf32, #tpu.memory_space<hbm>>
        tpu.enqueue_dma source(%dma_start3A_39 : memref<4096xf32, #tpu.memory_space<hbm>>) target(%arg7 : memref<4096xf32, #tpu.memory_space<vmem>>) target_semaphore(%run_scoped3A : memref<!tpu.dma_semaphore, #tpu.memory_space<semaphore_mem>>)
        %dma_wait3A = tpu.memref_slice %arg3[%mul3A_4] : memref<65536xf32, #tpu.memory_space<hbm>> -> memref<4096xf32, #tpu.memory_space<hbm>>
        %dma_wait3A_40 = tpu.memref_slice %arg3[%mul3A_4] : memref<65536xf32, #tpu.memory_space<hbm>> -> memref<4096xf32, #tpu.memory_space<hbm>>
        tpu.wait_dma2 semaphore(%run_scoped3A : memref<!tpu.dma_semaphore, #tpu.memory_space<semaphore_mem>>) src(%dma_wait3A_40 : memref<4096xf32, #tpu.memory_space<hbm>>) dst(%arg7 : memref<4096xf32, #tpu.memory_space<vmem>>)
        tpu.yield
      }) : () -> ()
      %mul3A_5 = arith.constant 4096 : i32
      %mul3A_6 = arith.muli %arg1, %mul3A_5 : i32
      "tpu.region"() ({
        %run_scoped3A = tpu.sem_alloc : memref<!tpu.dma_semaphore, #tpu.memory_space<semaphore_mem>>
        %dma_start3A = tpu.memref_slice %arg4[%mul3A_6] : memref<65536xf32, #tpu.memory_space<hbm>> -> memref<4096xf32, #tpu.memory_space<hbm>>
        %dma_start3A_39 = tpu.memref_slice %arg4[%mul3A_6] : memref<65536xf32, #tpu.memory_space<hbm>> -> memref<4096xf32, #tpu.memory_space<hbm>>
        tpu.enqueue_dma source(%dma_start3A_39 : memref<4096xf32, #tpu.memory_space<hbm>>) target(%arg8 : memref<4096xf32, #tpu.memory_space<vmem>>) target_semaphore(%run_scoped3A : memref<!tpu.dma_semaphore, #tpu.memory_space<semaphore_mem>>)
        %dma_wait3A = tpu.memref_slice %arg4[%mul3A_6] : memref<65536xf32, #tpu.memory_space<hbm>> -> memref<4096xf32, #tpu.memory_space<hbm>>
        %dma_wait3A_40 = tpu.memref_slice %arg4[%mul3A_6] : memref<65536xf32, #tpu.memory_space<hbm>> -> memref<4096xf32, #tpu.memory_space<hbm>>
        tpu.wait_dma2 semaphore(%run_scoped3A : memref<!tpu.dma_semaphore, #tpu.memory_space<semaphore_mem>>) src(%dma_wait3A_40 : memref<4096xf32, #tpu.memory_space<hbm>>) dst(%arg8 : memref<4096xf32, #tpu.memory_space<vmem>>)
        tpu.yield
      }) : () -> ()
      %while3A = arith.constant 0 : i32
      %while3A_7 = arith.constant 32 : i32
      %while3A_8 = arith.constant 0 : i64
      %while3A_9 = arith.subi %while3A_7, %while3A : i32
      %while3A_10 = arith.addi %while3A, %while3A_9 : i32
      %while3A_11 = arith.constant 1 : i32
      %while3A_12 = arith.divsi %while3A_9, %while3A_11 : i32
      %while3A_13 = arith.muli %while3A_12, %while3A_11 : i32
      %while3A_14 = arith.addi %while3A, %while3A_13 : i32
      %while3A_15 = arith.constant 1 : i32
      %while3A_16 = scf.for %while3A_39 = %while3A to %while3A_14 step %while3A_15 iter_args(%while3A_40 = %while3A_8) -> (i64)  : i32 {
        %broadcast_in_dim3A_41 = arith.constant 0x7F800000 : f32
        %broadcast_in_dim3A_42 = vector.broadcast %broadcast_in_dim3A_41 : f32 to vector<16xf32>
        %mul3A_43 = arith.constant 128 : i32
        %mul3A_44 = arith.muli %while3A_39, %mul3A_43 : i32
        %add3A = arith.constant 0 : i32
        %add3A_45 = arith.addi %mul3A_44, %add3A : i32
        %swap3A = arith.index_cast %add3A_45 : i32 to index
        %swap3A_46 = tpu.vector_load %arg9[%swap3A] {strides = array<i32>} : memref<4096xf32, #tpu.memory_space<vmem>>, vector<16xf32>,
        tpu.vector_store %arg9[%swap3A], %broadcast_in_dim3A_42 {strides = array<i32>} : memref<4096xf32, #tpu.memory_space<vmem>>, vector<16xf32>,
        %broadcast_in_dim3A_47 = arith.constant 0x7F800000 : f32
        %broadcast_in_dim3A_48 = vector.broadcast %broadcast_in_dim3A_47 : f32 to vector<16xf32>
        %mul3A_49 = arith.constant 128 : i32
        %mul3A_50 = arith.muli %while3A_39, %mul3A_49 : i32
        %add3A_51 = arith.constant 16 : i32
        %add3A_52 = arith.addi %mul3A_50, %add3A_51 : i32
        %swap3A_53 = arith.index_cast %add3A_52 : i32 to index
        %swap3A_54 = tpu.vector_load %arg9[%swap3A_53] {strides = array<i32>} : memref<4096xf32, #tpu.memory_space<vmem>>, vector<16xf32>,
        tpu.vector_store %arg9[%swap3A_53], %broadcast_in_dim3A_48 {strides = array<i32>} : memref<4096xf32, #tpu.memory_space<vmem>>, vector<16xf32>,
        %broadcast_in_dim3A_55 = arith.constant 0x7F800000 : f32
        %broadcast_in_dim3A_56 = vector.broadcast %broadcast_in_dim3A_55 : f32 to vector<16xf32>
        %mul3A_57 = arith.constant 128 : i32
        %mul3A_58 = arith.muli %while3A_39, %mul3A_57 : i32
        %add3A_59 = arith.constant 32 : i32
        %add3A_60 = arith.addi %mul3A_58, %add3A_59 : i32
        %swap3A_61 = arith.index_cast %add3A_60 : i32 to index
        %swap3A_62 = tpu.vector_load %arg9[%swap3A_61] {strides = array<i32>} : memref<4096xf32, #tpu.memory_space<vmem>>, vector<16xf32>,
        tpu.vector_store %arg9[%swap3A_61], %broadcast_in_dim3A_56 {strides = array<i32>} : memref<4096xf32, #tpu.memory_space<vmem>>, vector<16xf32>,
        %broadcast_in_dim3A_63 = arith.constant 0x7F800000 : f32
        %broadcast_in_dim3A_64 = vector.broadcast %broadcast_in_dim3A_63 : f32 to vector<16xf32>
        %mul3A_65 = arith.constant 128 : i32
        %mul3A_66 = arith.muli %while3A_39, %mul3A_65 : i32
        %add3A_67 = arith.constant 48 : i32
        %add3A_68 = arith.addi %mul3A_66, %add3A_67 : i32
        %swap3A_69 = arith.index_cast %add3A_68 : i32 to index
        %swap3A_70 = tpu.vector_load %arg9[%swap3A_69] {strides = array<i32>} : memref<4096xf32, #tpu.memory_space<vmem>>, vector<16xf32>,
        tpu.vector_store %arg9[%swap3A_69], %broadcast_in_dim3A_64 {strides = array<i32>} : memref<4096xf32, #tpu.memory_space<vmem>>, vector<16xf32>,
        %broadcast_in_dim3A_71 = arith.constant 0x7F800000 : f32
        %broadcast_in_dim3A_72 = vector.broadcast %broadcast_in_dim3A_71 : f32 to vector<16xf32>
        %mul3A_73 = arith.constant 128 : i32
        %mul3A_74 = arith.muli %while3A_39, %mul3A_73 : i32
        %add3A_75 = arith.constant 64 : i32
        %add3A_76 = arith.addi %mul3A_74, %add3A_75 : i32
        %swap3A_77 = arith.index_cast %add3A_76 : i32 to index
        %swap3A_78 = tpu.vector_load %arg9[%swap3A_77] {strides = array<i32>} : memref<4096xf32, #tpu.memory_space<vmem>>, vector<16xf32>,
        tpu.vector_store %arg9[%swap3A_77], %broadcast_in_dim3A_72 {strides = array<i32>} : memref<4096xf32, #tpu.memory_space<vmem>>, vector<16xf32>,
        %broadcast_in_dim3A_79 = arith.constant 0x7F800000 : f32
        %broadcast_in_dim3A_80 = vector.broadcast %broadcast_in_dim3A_79 : f32 to vector<16xf32>
        %mul3A_81 = arith.constant 128 : i32
        %mul3A_82 = arith.muli %while3A_39, %mul3A_81 : i32
        %add3A_83 = arith.constant 80 : i32
        %add3A_84 = arith.addi %mul3A_82, %add3A_83 : i32
        %swap3A_85 = arith.index_cast %add3A_84 : i32 to index
        %swap3A_86 = tpu.vector_load %arg9[%swap3A_85] {strides = array<i32>} : memref<4096xf32, #tpu.memory_space<vmem>>, vector<16xf32>,
        tpu.vector_store %arg9[%swap3A_85], %broadcast_in_dim3A_80 {strides = array<i32>} : memref<4096xf32, #tpu.memory_space<vmem>>, vector<16xf32>,
        %broadcast_in_dim3A_87 = arith.constant 0x7F800000 : f32
        %broadcast_in_dim3A_88 = vector.broadcast %broadcast_in_dim3A_87 : f32 to vector<16xf32>
        %mul3A_89 = arith.constant 128 : i32
        %mul3A_90 = arith.muli %while3A_39, %mul3A_89 : i32
        %add3A_91 = arith.constant 96 : i32
        %add3A_92 = arith.addi %mul3A_90, %add3A_91 : i32
        %swap3A_93 = arith.index_cast %add3A_92 : i32 to index
        %swap3A_94 = tpu.vector_load %arg9[%swap3A_93] {strides = array<i32>} : memref<4096xf32, #tpu.memory_space<vmem>>, vector<16xf32>,
        tpu.vector_store %arg9[%swap3A_93], %broadcast_in_dim3A_88 {strides = array<i32>} : memref<4096xf32, #tpu.memory_space<vmem>>, vector<16xf32>,
        %broadcast_in_dim3A_95 = arith.constant 0x7F800000 : f32
        %broadcast_in_dim3A_96 = vector.broadcast %broadcast_in_dim3A_95 : f32 to vector<16xf32>
        %mul3A_97 = arith.constant 128 : i32
        %mul3A_98 = arith.muli %while3A_39, %mul3A_97 : i32
        %add3A_99 = arith.constant 112 : i32
        %add3A_100 = arith.addi %mul3A_98, %add3A_99 : i32
        %swap3A_101 = arith.index_cast %add3A_100 : i32 to index
        %swap3A_102 = tpu.vector_load %arg9[%swap3A_101] {strides = array<i32>} : memref<4096xf32, #tpu.memory_space<vmem>>, vector<16xf32>,
        tpu.vector_store %arg9[%swap3A_101], %broadcast_in_dim3A_96 {strides = array<i32>} : memref<4096xf32, #tpu.memory_space<vmem>>, vector<16xf32>,
        %while3A_103 = arith.constant 0 : i64
        scf.yield %while3A_103 : i64
      }
      %while3A_17 = arith.constant 1 : i32
      %while3A_18 = scf.for %while3A_39 = %while3A_14 to %while3A_10 step %while3A_17 iter_args(%while3A_40 = %while3A_16) -> (i64)  : i32 {
        %broadcast_in_dim3A_41 = arith.constant 0x7F800000 : f32
        %broadcast_in_dim3A_42 = vector.broadcast %broadcast_in_dim3A_41 : f32 to vector<16xf32>
        %mul3A_43 = arith.constant 128 : i32
        %mul3A_44 = arith.muli %while3A_39, %mul3A_43 : i32
        %add3A = arith.constant 0 : i32
        %add3A_45 = arith.addi %mul3A_44, %add3A : i32
        %swap3A = arith.index_cast %add3A_45 : i32 to index
        %swap3A_46 = tpu.vector_load %arg9[%swap3A] {strides = array<i32>} : memref<4096xf32, #tpu.memory_space<vmem>>, vector<16xf32>,
        tpu.vector_store %arg9[%swap3A], %broadcast_in_dim3A_42 {strides = array<i32>} : memref<4096xf32, #tpu.memory_space<vmem>>, vector<16xf32>,
        %broadcast_in_dim3A_47 = arith.constant 0x7F800000 : f32
        %broadcast_in_dim3A_48 = vector.broadcast %broadcast_in_dim3A_47 : f32 to vector<16xf32>
        %mul3A_49 = arith.constant 128 : i32
        %mul3A_50 = arith.muli %while3A_39, %mul3A_49 : i32
        %add3A_51 = arith.constant 16 : i32
        %add3A_52 = arith.addi %mul3A_50, %add3A_51 : i32
        %swap3A_53 = arith.index_cast %add3A_52 : i32 to index
        %swap3A_54 = tpu.vector_load %arg9[%swap3A_53] {strides = array<i32>} : memref<4096xf32, #tpu.memory_space<vmem>>, vector<16xf32>,
        tpu.vector_store %arg9[%swap3A_53], %broadcast_in_dim3A_48 {strides = array<i32>} : memref<4096xf32, #tpu.memory_space<vmem>>, vector<16xf32>,
        %broadcast_in_dim3A_55 = arith.constant 0x7F800000 : f32
        %broadcast_in_dim3A_56 = vector.broadcast %broadcast_in_dim3A_55 : f32 to vector<16xf32>
        %mul3A_57 = arith.constant 128 : i32
        %mul3A_58 = arith.muli %while3A_39, %mul3A_57 : i32
        %add3A_59 = arith.constant 32 : i32
        %add3A_60 = arith.addi %mul3A_58, %add3A_59 : i32
        %swap3A_61 = arith.index_cast %add3A_60 : i32 to index
        %swap3A_62 = tpu.vector_load %arg9[%swap3A_61] {strides = array<i32>} : memref<4096xf32, #tpu.memory_space<vmem>>, vector<16xf32>,
        tpu.vector_store %arg9[%swap3A_61], %broadcast_in_dim3A_56 {strides = array<i32>} : memref<4096xf32, #tpu.memory_space<vmem>>, vector<16xf32>,
        %broadcast_in_dim3A_63 = arith.constant 0x7F800000 : f32
        %broadcast_in_dim3A_64 = vector.broadcast %broadcast_in_dim3A_63 : f32 to vector<16xf32>
        %mul3A_65 = arith.constant 128 : i32
        %mul3A_66 = arith.muli %while3A_39, %mul3A_65 : i32
        %add3A_67 = arith.constant 48 : i32
        %add3A_68 = arith.addi %mul3A_66, %add3A_67 : i32
        %swap3A_69 = arith.index_cast %add3A_68 : i32 to index
        %swap3A_70 = tpu.vector_load %arg9[%swap3A_69] {strides = array<i32>} : memref<4096xf32, #tpu.memory_space<vmem>>, vector<16xf32>,
        tpu.vector_store %arg9[%swap3A_69], %broadcast_in_dim3A_64 {strides = array<i32>} : memref<4096xf32, #tpu.memory_space<vmem>>, vector<16xf32>,
        %broadcast_in_dim3A_71 = arith.constant 0x7F800000 : f32
        %broadcast_in_dim3A_72 = vector.broadcast %broadcast_in_dim3A_71 : f32 to vector<16xf32>
        %mul3A_73 = arith.constant 128 : i32
        %mul3A_74 = arith.muli %while3A_39, %mul3A_73 : i32
        %add3A_75 = arith.constant 64 : i32
        %add3A_76 = arith.addi %mul3A_74, %add3A_75 : i32
        %swap3A_77 = arith.index_cast %add3A_76 : i32 to index
        %swap3A_78 = tpu.vector_load %arg9[%swap3A_77] {strides = array<i32>} : memref<4096xf32, #tpu.memory_space<vmem>>, vector<16xf32>,
        tpu.vector_store %arg9[%swap3A_77], %broadcast_in_dim3A_72 {strides = array<i32>} : memref<4096xf32, #tpu.memory_space<vmem>>, vector<16xf32>,
        %broadcast_in_dim3A_79 = arith.constant 0x7F800000 : f32
        %broadcast_in_dim3A_80 = vector.broadcast %broadcast_in_dim3A_79 : f32 to vector<16xf32>
        %mul3A_81 = arith.constant 128 : i32
        %mul3A_82 = arith.muli %while3A_39, %mul3A_81 : i32
        %add3A_83 = arith.constant 80 : i32
        %add3A_84 = arith.addi %mul3A_82, %add3A_83 : i32
        %swap3A_85 = arith.index_cast %add3A_84 : i32 to index
        %swap3A_86 = tpu.vector_load %arg9[%swap3A_85] {strides = array<i32>} : memref<4096xf32, #tpu.memory_space<vmem>>, vector<16xf32>,
        tpu.vector_store %arg9[%swap3A_85], %broadcast_in_dim3A_80 {strides = array<i32>} : memref<4096xf32, #tpu.memory_space<vmem>>, vector<16xf32>,
        %broadcast_in_dim3A_87 = arith.constant 0x7F800000 : f32
        %broadcast_in_dim3A_88 = vector.broadcast %broadcast_in_dim3A_87 : f32 to vector<16xf32>
        %mul3A_89 = arith.constant 128 : i32
        %mul3A_90 = arith.muli %while3A_39, %mul3A_89 : i32
        %add3A_91 = arith.constant 96 : i32
        %add3A_92 = arith.addi %mul3A_90, %add3A_91 : i32
        %swap3A_93 = arith.index_cast %add3A_92 : i32 to index
        %swap3A_94 = tpu.vector_load %arg9[%swap3A_93] {strides = array<i32>} : memref<4096xf32, #tpu.memory_space<vmem>>, vector<16xf32>,
        tpu.vector_store %arg9[%swap3A_93], %broadcast_in_dim3A_88 {strides = array<i32>} : memref<4096xf32, #tpu.memory_space<vmem>>, vector<16xf32>,
        %broadcast_in_dim3A_95 = arith.constant 0x7F800000 : f32
        %broadcast_in_dim3A_96 = vector.broadcast %broadcast_in_dim3A_95 : f32 to vector<16xf32>
        %mul3A_97 = arith.constant 128 : i32
        %mul3A_98 = arith.muli %while3A_39, %mul3A_97 : i32
        %add3A_99 = arith.constant 112 : i32
        %add3A_100 = arith.addi %mul3A_98, %add3A_99 : i32
        %swap3A_101 = arith.index_cast %add3A_100 : i32 to index
        %swap3A_102 = tpu.vector_load %arg9[%swap3A_101] {strides = array<i32>} : memref<4096xf32, #tpu.memory_space<vmem>>, vector<16xf32>,
        tpu.vector_store %arg9[%swap3A_101], %broadcast_in_dim3A_96 {strides = array<i32>} : memref<4096xf32, #tpu.memory_space<vmem>>, vector<16xf32>,
        %while3A_103 = arith.constant 0 : i64
        scf.yield %while3A_103 : i64
      }
      %broadcast_in_dim3A = arith.constant 0 : i32
      %broadcast_in_dim3A_19 = vector.broadcast %broadcast_in_dim3A : i32 to vector<16xi32>
      %mul3A_20 = arith.constant 4096 : i32
      %mul3A_21 = arith.muli %arg1, %mul3A_20 : i32
      %broadcast_in_dim3A_22 = vector.broadcast %mul3A_21 : i32 to vector<16xi32>
      %eq3A_23 = arith.constant 0 : i32
      %eq3A_24 = vector.broadcast %eq3A_23 : i32 to vector<16xi32>
      %eq3A_25 = arith.cmpi eq, %iota3A, %eq3A_24 : vector<16xi32>
      tpu.vector_store_idx %arg10[%broadcast_in_dim3A_19], %broadcast_in_dim3A_22 masked %eq3A_25 : memref<1024xi32, #tpu.memory_space<vmem>>[vector<16xi32>], vector<16xi32>, vector<16xi1>
      %while3A_26 = arith.constant 1 : i32
      %while3A_27 = arith.constant 1024 : i32
      %while3A_28 = arith.constant 0 : i32
      %while3A_29 = arith.subi %while3A_27, %while3A_26 : i32
      %while3A_30 = arith.addi %while3A_26, %while3A_29 : i32
      %while3A_31 = arith.constant 1 : i32
      %while3A_32 = arith.divsi %while3A_29, %while3A_31 : i32
      %while3A_33 = arith.muli %while3A_32, %while3A_31 : i32
      %while3A_34 = arith.addi %while3A_26, %while3A_33 : i32
      %while3A_35 = arith.constant 1 : i32
      %while3A_36 = scf.for %while3A_39 = %while3A_26 to %while3A_34 step %while3A_35 iter_args(%while3A_40 = %while3A_28) -> (i32)  : i32 {
        %broadcast_in_dim3A_41 = vector.broadcast %while3A_40 : i32 to vector<16xi32>
        %gather3A = tpu.vector_load_idx %arg6[%broadcast_in_dim3A_41] : memref<4096xf32, #tpu.memory_space<vmem>>[vector<16xi32>], vector<16xf32>,
        %gather3A_42 = tpu.vector_load_idx %arg7[%broadcast_in_dim3A_41] : memref<4096xf32, #tpu.memory_space<vmem>>[vector<16xi32>], vector<16xf32>,
        %gather3A_43 = tpu.vector_load_idx %arg8[%broadcast_in_dim3A_41] : memref<4096xf32, #tpu.memory_space<vmem>>[vector<16xi32>], vector<16xf32>,
        %broadcast_in_dim3A_44 = arith.constant -1.000000e+00 : f32
        %broadcast_in_dim3A_45 = vector.broadcast %broadcast_in_dim3A_44 : f32 to vector<16xf32>
        %broadcast_in_dim3A_46 = arith.constant 0 : i32
        %broadcast_in_dim3A_47 = vector.broadcast %broadcast_in_dim3A_46 : i32 to vector<16xi32>
        %parallel_loop3A = arith.constant 0 : i32
        %parallel_loop3A_48 = arith.constant 32 : i32
        %parallel_loop3A_49 = arith.constant 1 : i32
        %parallel_loop3A_50:16 = scf.for %parallel_loop3A_138 = %parallel_loop3A to %parallel_loop3A_48 step %parallel_loop3A_49 iter_args(%parallel_loop3A_139 = %broadcast_in_dim3A_45, %parallel_loop3A_140 = %broadcast_in_dim3A_45, %parallel_loop3A_141 = %broadcast_in_dim3A_45, %parallel_loop3A_142 = %broadcast_in_dim3A_45, %parallel_loop3A_143 = %broadcast_in_dim3A_45, %parallel_loop3A_144 = %broadcast_in_dim3A_45, %parallel_loop3A_145 = %broadcast_in_dim3A_45, %parallel_loop3A_146 = %broadcast_in_dim3A_45, %parallel_loop3A_147 = %broadcast_in_dim3A_47, %parallel_loop3A_148 = %broadcast_in_dim3A_47, %parallel_loop3A_149 = %broadcast_in_dim3A_47, %parallel_loop3A_150 = %broadcast_in_dim3A_47, %parallel_loop3A_151 = %broadcast_in_dim3A_47, %parallel_loop3A_152 = %broadcast_in_dim3A_47, %parallel_loop3A_153 = %broadcast_in_dim3A_47, %parallel_loop3A_154 = %broadcast_in_dim3A_47) -> (vector<16xf32>, vector<16xf32>, vector<16xf32>, vector<16xf32>, vector<16xf32>, vector<16xf32>, vector<16xf32>, vector<16xf32>, vector<16xi32>, vector<16xi32>, vector<16xi32>, vector<16xi32>, vector<16xi32>, vector<16xi32>, vector<16xi32>, vector<16xi32>)  : i32 {
          %parallel_loop3A_155 = arith.constant 8 : i32
          %parallel_loop3A_156 = arith.muli %parallel_loop3A_138, %parallel_loop3A_155 : i32
          %parallel_loop3A_157 = arith.constant 0 : i32
          %parallel_loop3A_158 = arith.addi %parallel_loop3A_156, %parallel_loop3A_157 : i32
          %parallel_loop3A_159 = arith.constant 16 : i32
          %parallel_loop3A_160 = arith.muli %parallel_loop3A_158, %parallel_loop3A_159 : i32
          %parallel_loop3A_161 = arith.index_cast %parallel_loop3A_160 : i32 to index
          %parallel_loop3A_162 = tpu.vector_load %arg6[%parallel_loop3A_161] {strides = array<i32>} : memref<4096xf32, #tpu.memory_space<vmem>>, vector<16xf32>,
          %parallel_loop3A_163 = arith.subf %parallel_loop3A_162, %gather3A : vector<16xf32>
          %parallel_loop3A_164 = arith.index_cast %parallel_loop3A_160 : i32 to index
          %parallel_loop3A_165 = tpu.vector_load %arg7[%parallel_loop3A_164] {strides = array<i32>} : memref<4096xf32, #tpu.memory_space<vmem>>, vector<16xf32>,
          %parallel_loop3A_166 = arith.subf %parallel_loop3A_165, %gather3A_42 : vector<16xf32>
          %parallel_loop3A_167 = arith.index_cast %parallel_loop3A_160 : i32 to index
          %parallel_loop3A_168 = tpu.vector_load %arg8[%parallel_loop3A_167] {strides = array<i32>} : memref<4096xf32, #tpu.memory_space<vmem>>, vector<16xf32>,
          %parallel_loop3A_169 = arith.subf %parallel_loop3A_168, %gather3A_43 : vector<16xf32>
          %parallel_loop3A_170 = arith.mulf %parallel_loop3A_163, %parallel_loop3A_163 : vector<16xf32>
          %parallel_loop3A_171 = arith.mulf %parallel_loop3A_166, %parallel_loop3A_166 : vector<16xf32>
          %parallel_loop3A_172 = arith.addf %parallel_loop3A_170, %parallel_loop3A_171 : vector<16xf32>
          %parallel_loop3A_173 = arith.mulf %parallel_loop3A_169, %parallel_loop3A_169 : vector<16xf32>
          %parallel_loop3A_174 = arith.addf %parallel_loop3A_172, %parallel_loop3A_173 : vector<16xf32>
          %parallel_loop3A_175 = arith.index_cast %parallel_loop3A_160 : i32 to index
          %parallel_loop3A_176 = tpu.vector_load %arg9[%parallel_loop3A_175] {strides = array<i32>} : memref<4096xf32, #tpu.memory_space<vmem>>, vector<16xf32>,
          %parallel_loop3A_177 = arith.minimumf %parallel_loop3A_176, %parallel_loop3A_174 : vector<16xf32>
          %parallel_loop3A_178 = arith.index_cast %parallel_loop3A_160 : i32 to index
          %parallel_loop3A_179 = tpu.vector_load %arg9[%parallel_loop3A_178] {strides = array<i32>} : memref<4096xf32, #tpu.memory_space<vmem>>, vector<16xf32>,
          tpu.vector_store %arg9[%parallel_loop3A_178], %parallel_loop3A_177 {strides = array<i32>} : memref<4096xf32, #tpu.memory_space<vmem>>, vector<16xf32>,
          %parallel_loop3A_180 = arith.cmpf ogt, %parallel_loop3A_177, %parallel_loop3A_139 : vector<16xf32>
          %parallel_loop3A_181 = arith.select %parallel_loop3A_180, %parallel_loop3A_177, %parallel_loop3A_139 : vector<16xi1>, vector<16xf32>
          %parallel_loop3A_182 = vector.broadcast %parallel_loop3A_158 : i32 to vector<16xi32>
          %parallel_loop3A_183 = arith.select %parallel_loop3A_180, %parallel_loop3A_182, %parallel_loop3A_147 : vector<16xi1>, vector<16xi32>
          %parallel_loop3A_184 = arith.constant 8 : i32
          %parallel_loop3A_185 = arith.muli %parallel_loop3A_138, %parallel_loop3A_184 : i32
          %parallel_loop3A_186 = arith.constant 1 : i32
          %parallel_loop3A_187 = arith.addi %parallel_loop3A_185, %parallel_loop3A_186 : i32
          %parallel_loop3A_188 = arith.constant 16 : i32
          %parallel_loop3A_189 = arith.muli %parallel_loop3A_187, %parallel_loop3A_188 : i32
          %parallel_loop3A_190 = arith.index_cast %parallel_loop3A_189 : i32 to index
          %parallel_loop3A_191 = tpu.vector_load %arg6[%parallel_loop3A_190] {strides = array<i32>} : memref<4096xf32, #tpu.memory_space<vmem>>, vector<16xf32>,
          %parallel_loop3A_192 = arith.subf %parallel_loop3A_191, %gather3A : vector<16xf32>
          %parallel_loop3A_193 = arith.index_cast %parallel_loop3A_189 : i32 to index
          %parallel_loop3A_194 = tpu.vector_load %arg7[%parallel_loop3A_193] {strides = array<i32>} : memref<4096xf32, #tpu.memory_space<vmem>>, vector<16xf32>,
          %parallel_loop3A_195 = arith.subf %parallel_loop3A_194, %gather3A_42 : vector<16xf32>
          %parallel_loop3A_196 = arith.index_cast %parallel_loop3A_189 : i32 to index
          %parallel_loop3A_197 = tpu.vector_load %arg8[%parallel_loop3A_196] {strides = array<i32>} : memref<4096xf32, #tpu.memory_space<vmem>>, vector<16xf32>,
          %parallel_loop3A_198 = arith.subf %parallel_loop3A_197, %gather3A_43 : vector<16xf32>
          %parallel_loop3A_199 = arith.mulf %parallel_loop3A_192, %parallel_loop3A_192 : vector<16xf32>
          %parallel_loop3A_200 = arith.mulf %parallel_loop3A_195, %parallel_loop3A_195 : vector<16xf32>
          %parallel_loop3A_201 = arith.addf %parallel_loop3A_199, %parallel_loop3A_200 : vector<16xf32>
          %parallel_loop3A_202 = arith.mulf %parallel_loop3A_198, %parallel_loop3A_198 : vector<16xf32>
          %parallel_loop3A_203 = arith.addf %parallel_loop3A_201, %parallel_loop3A_202 : vector<16xf32>
          %parallel_loop3A_204 = arith.index_cast %parallel_loop3A_189 : i32 to index
          %parallel_loop3A_205 = tpu.vector_load %arg9[%parallel_loop3A_204] {strides = array<i32>} : memref<4096xf32, #tpu.memory_space<vmem>>, vector<16xf32>,
          %parallel_loop3A_206 = arith.minimumf %parallel_loop3A_205, %parallel_loop3A_203 : vector<16xf32>
          %parallel_loop3A_207 = arith.index_cast %parallel_loop3A_189 : i32 to index
          %parallel_loop3A_208 = tpu.vector_load %arg9[%parallel_loop3A_207] {strides = array<i32>} : memref<4096xf32, #tpu.memory_space<vmem>>, vector<16xf32>,
          tpu.vector_store %arg9[%parallel_loop3A_207], %parallel_loop3A_206 {strides = array<i32>} : memref<4096xf32, #tpu.memory_space<vmem>>, vector<16xf32>,
          %parallel_loop3A_209 = arith.cmpf ogt, %parallel_loop3A_206, %parallel_loop3A_140 : vector<16xf32>
          %parallel_loop3A_210 = arith.select %parallel_loop3A_209, %parallel_loop3A_206, %parallel_loop3A_140 : vector<16xi1>, vector<16xf32>
          %parallel_loop3A_211 = vector.broadcast %parallel_loop3A_187 : i32 to vector<16xi32>
          %parallel_loop3A_212 = arith.select %parallel_loop3A_209, %parallel_loop3A_211, %parallel_loop3A_148 : vector<16xi1>, vector<16xi32>
          %parallel_loop3A_213 = arith.constant 8 : i32
          %parallel_loop3A_214 = arith.muli %parallel_loop3A_138, %parallel_loop3A_213 : i32
          %parallel_loop3A_215 = arith.constant 2 : i32
          %parallel_loop3A_216 = arith.addi %parallel_loop3A_214, %parallel_loop3A_215 : i32
          %parallel_loop3A_217 = arith.constant 16 : i32
          %parallel_loop3A_218 = arith.muli %parallel_loop3A_216, %parallel_loop3A_217 : i32
          %parallel_loop3A_219 = arith.index_cast %parallel_loop3A_218 : i32 to index
          %parallel_loop3A_220 = tpu.vector_load %arg6[%parallel_loop3A_219] {strides = array<i32>} : memref<4096xf32, #tpu.memory_space<vmem>>, vector<16xf32>,
          %parallel_loop3A_221 = arith.subf %parallel_loop3A_220, %gather3A : vector<16xf32>
          %parallel_loop3A_222 = arith.index_cast %parallel_loop3A_218 : i32 to index
          %parallel_loop3A_223 = tpu.vector_load %arg7[%parallel_loop3A_222] {strides = array<i32>} : memref<4096xf32, #tpu.memory_space<vmem>>, vector<16xf32>,
          %parallel_loop3A_224 = arith.subf %parallel_loop3A_223, %gather3A_42 : vector<16xf32>
          %parallel_loop3A_225 = arith.index_cast %parallel_loop3A_218 : i32 to index
          %parallel_loop3A_226 = tpu.vector_load %arg8[%parallel_loop3A_225] {strides = array<i32>} : memref<4096xf32, #tpu.memory_space<vmem>>, vector<16xf32>,
          %parallel_loop3A_227 = arith.subf %parallel_loop3A_226, %gather3A_43 : vector<16xf32>
          %parallel_loop3A_228 = arith.mulf %parallel_loop3A_221, %parallel_loop3A_221 : vector<16xf32>
          %parallel_loop3A_229 = arith.mulf %parallel_loop3A_224, %parallel_loop3A_224 : vector<16xf32>
          %parallel_loop3A_230 = arith.addf %parallel_loop3A_228, %parallel_loop3A_229 : vector<16xf32>
          %parallel_loop3A_231 = arith.mulf %parallel_loop3A_227, %parallel_loop3A_227 : vector<16xf32>
          %parallel_loop3A_232 = arith.addf %parallel_loop3A_230, %parallel_loop3A_231 : vector<16xf32>
          %parallel_loop3A_233 = arith.index_cast %parallel_loop3A_218 : i32 to index
          %parallel_loop3A_234 = tpu.vector_load %arg9[%parallel_loop3A_233] {strides = array<i32>} : memref<4096xf32, #tpu.memory_space<vmem>>, vector<16xf32>,
          %parallel_loop3A_235 = arith.minimumf %parallel_loop3A_234, %parallel_loop3A_232 : vector<16xf32>
          %parallel_loop3A_236 = arith.index_cast %parallel_loop3A_218 : i32 to index
          %parallel_loop3A_237 = tpu.vector_load %arg9[%parallel_loop3A_236] {strides = array<i32>} : memref<4096xf32, #tpu.memory_space<vmem>>, vector<16xf32>,
          tpu.vector_store %arg9[%parallel_loop3A_236], %parallel_loop3A_235 {strides = array<i32>} : memref<4096xf32, #tpu.memory_space<vmem>>, vector<16xf32>,
          %parallel_loop3A_238 = arith.cmpf ogt, %parallel_loop3A_235, %parallel_loop3A_141 : vector<16xf32>
          %parallel_loop3A_239 = arith.select %parallel_loop3A_238, %parallel_loop3A_235, %parallel_loop3A_141 : vector<16xi1>, vector<16xf32>
          %parallel_loop3A_240 = vector.broadcast %parallel_loop3A_216 : i32 to vector<16xi32>
          %parallel_loop3A_241 = arith.select %parallel_loop3A_238, %parallel_loop3A_240, %parallel_loop3A_149 : vector<16xi1>, vector<16xi32>
          %parallel_loop3A_242 = arith.constant 8 : i32
          %parallel_loop3A_243 = arith.muli %parallel_loop3A_138, %parallel_loop3A_242 : i32
          %parallel_loop3A_244 = arith.constant 3 : i32
          %parallel_loop3A_245 = arith.addi %parallel_loop3A_243, %parallel_loop3A_244 : i32
          %parallel_loop3A_246 = arith.constant 16 : i32
          %parallel_loop3A_247 = arith.muli %parallel_loop3A_245, %parallel_loop3A_246 : i32
          %parallel_loop3A_248 = arith.index_cast %parallel_loop3A_247 : i32 to index
          %parallel_loop3A_249 = tpu.vector_load %arg6[%parallel_loop3A_248] {strides = array<i32>} : memref<4096xf32, #tpu.memory_space<vmem>>, vector<16xf32>,
          %parallel_loop3A_250 = arith.subf %parallel_loop3A_249, %gather3A : vector<16xf32>
          %parallel_loop3A_251 = arith.index_cast %parallel_loop3A_247 : i32 to index
          %parallel_loop3A_252 = tpu.vector_load %arg7[%parallel_loop3A_251] {strides = array<i32>} : memref<4096xf32, #tpu.memory_space<vmem>>, vector<16xf32>,
          %parallel_loop3A_253 = arith.subf %parallel_loop3A_252, %gather3A_42 : vector<16xf32>
          %parallel_loop3A_254 = arith.index_cast %parallel_loop3A_247 : i32 to index
          %parallel_loop3A_255 = tpu.vector_load %arg8[%parallel_loop3A_254] {strides = array<i32>} : memref<4096xf32, #tpu.memory_space<vmem>>, vector<16xf32>,
          %parallel_loop3A_256 = arith.subf %parallel_loop3A_255, %gather3A_43 : vector<16xf32>
          %parallel_loop3A_257 = arith.mulf %parallel_loop3A_250, %parallel_loop3A_250 : vector<16xf32>
          %parallel_loop3A_258 = arith.mulf %parallel_loop3A_253, %parallel_loop3A_253 : vector<16xf32>
          %parallel_loop3A_259 = arith.addf %parallel_loop3A_257, %parallel_loop3A_258 : vector<16xf32>
          %parallel_loop3A_260 = arith.mulf %parallel_loop3A_256, %parallel_loop3A_256 : vector<16xf32>
          %parallel_loop3A_261 = arith.addf %parallel_loop3A_259, %parallel_loop3A_260 : vector<16xf32>
          %parallel_loop3A_262 = arith.index_cast %parallel_loop3A_247 : i32 to index
          %parallel_loop3A_263 = tpu.vector_load %arg9[%parallel_loop3A_262] {strides = array<i32>} : memref<4096xf32, #tpu.memory_space<vmem>>, vector<16xf32>,
          %parallel_loop3A_264 = arith.minimumf %parallel_loop3A_263, %parallel_loop3A_261 : vector<16xf32>
          %parallel_loop3A_265 = arith.index_cast %parallel_loop3A_247 : i32 to index
          %parallel_loop3A_266 = tpu.vector_load %arg9[%parallel_loop3A_265] {strides = array<i32>} : memref<4096xf32, #tpu.memory_space<vmem>>, vector<16xf32>,
          tpu.vector_store %arg9[%parallel_loop3A_265], %parallel_loop3A_264 {strides = array<i32>} : memref<4096xf32, #tpu.memory_space<vmem>>, vector<16xf32>,
          %parallel_loop3A_267 = arith.cmpf ogt, %parallel_loop3A_264, %parallel_loop3A_142 : vector<16xf32>
          %parallel_loop3A_268 = arith.select %parallel_loop3A_267, %parallel_loop3A_264, %parallel_loop3A_142 : vector<16xi1>, vector<16xf32>
          %parallel_loop3A_269 = vector.broadcast %parallel_loop3A_245 : i32 to vector<16xi32>
          %parallel_loop3A_270 = arith.select %parallel_loop3A_267, %parallel_loop3A_269, %parallel_loop3A_150 : vector<16xi1>, vector<16xi32>
          %parallel_loop3A_271 = arith.constant 8 : i32
          %parallel_loop3A_272 = arith.muli %parallel_loop3A_138, %parallel_loop3A_271 : i32
          %parallel_loop3A_273 = arith.constant 4 : i32
          %parallel_loop3A_274 = arith.addi %parallel_loop3A_272, %parallel_loop3A_273 : i32
          %parallel_loop3A_275 = arith.constant 16 : i32
          %parallel_loop3A_276 = arith.muli %parallel_loop3A_274, %parallel_loop3A_275 : i32
          %parallel_loop3A_277 = arith.index_cast %parallel_loop3A_276 : i32 to index
          %parallel_loop3A_278 = tpu.vector_load %arg6[%parallel_loop3A_277] {strides = array<i32>} : memref<4096xf32, #tpu.memory_space<vmem>>, vector<16xf32>,
          %parallel_loop3A_279 = arith.subf %parallel_loop3A_278, %gather3A : vector<16xf32>
          %parallel_loop3A_280 = arith.index_cast %parallel_loop3A_276 : i32 to index
          %parallel_loop3A_281 = tpu.vector_load %arg7[%parallel_loop3A_280] {strides = array<i32>} : memref<4096xf32, #tpu.memory_space<vmem>>, vector<16xf32>,
          %parallel_loop3A_282 = arith.subf %parallel_loop3A_281, %gather3A_42 : vector<16xf32>
          %parallel_loop3A_283 = arith.index_cast %parallel_loop3A_276 : i32 to index
          %parallel_loop3A_284 = tpu.vector_load %arg8[%parallel_loop3A_283] {strides = array<i32>} : memref<4096xf32, #tpu.memory_space<vmem>>, vector<16xf32>,
          %parallel_loop3A_285 = arith.subf %parallel_loop3A_284, %gather3A_43 : vector<16xf32>
          %parallel_loop3A_286 = arith.mulf %parallel_loop3A_279, %parallel_loop3A_279 : vector<16xf32>
          %parallel_loop3A_287 = arith.mulf %parallel_loop3A_282, %parallel_loop3A_282 : vector<16xf32>
          %parallel_loop3A_288 = arith.addf %parallel_loop3A_286, %parallel_loop3A_287 : vector<16xf32>
          %parallel_loop3A_289 = arith.mulf %parallel_loop3A_285, %parallel_loop3A_285 : vector<16xf32>
          %parallel_loop3A_290 = arith.addf %parallel_loop3A_288, %parallel_loop3A_289 : vector<16xf32>
          %parallel_loop3A_291 = arith.index_cast %parallel_loop3A_276 : i32 to index
          %parallel_loop3A_292 = tpu.vector_load %arg9[%parallel_loop3A_291] {strides = array<i32>} : memref<4096xf32, #tpu.memory_space<vmem>>, vector<16xf32>,
          %parallel_loop3A_293 = arith.minimumf %parallel_loop3A_292, %parallel_loop3A_290 : vector<16xf32>
          %parallel_loop3A_294 = arith.index_cast %parallel_loop3A_276 : i32 to index
          %parallel_loop3A_295 = tpu.vector_load %arg9[%parallel_loop3A_294] {strides = array<i32>} : memref<4096xf32, #tpu.memory_space<vmem>>, vector<16xf32>,
          tpu.vector_store %arg9[%parallel_loop3A_294], %parallel_loop3A_293 {strides = array<i32>} : memref<4096xf32, #tpu.memory_space<vmem>>, vector<16xf32>,
          %parallel_loop3A_296 = arith.cmpf ogt, %parallel_loop3A_293, %parallel_loop3A_143 : vector<16xf32>
          %parallel_loop3A_297 = arith.select %parallel_loop3A_296, %parallel_loop3A_293, %parallel_loop3A_143 : vector<16xi1>, vector<16xf32>
          %parallel_loop3A_298 = vector.broadcast %parallel_loop3A_274 : i32 to vector<16xi32>
          %parallel_loop3A_299 = arith.select %parallel_loop3A_296, %parallel_loop3A_298, %parallel_loop3A_151 : vector<16xi1>, vector<16xi32>
          %parallel_loop3A_300 = arith.constant 8 : i32
          %parallel_loop3A_301 = arith.muli %parallel_loop3A_138, %parallel_loop3A_300 : i32
          %parallel_loop3A_302 = arith.constant 5 : i32
          %parallel_loop3A_303 = arith.addi %parallel_loop3A_301, %parallel_loop3A_302 : i32
          %parallel_loop3A_304 = arith.constant 16 : i32
          %parallel_loop3A_305 = arith.muli %parallel_loop3A_303, %parallel_loop3A_304 : i32
          %parallel_loop3A_306 = arith.index_cast %parallel_loop3A_305 : i32 to index
          %parallel_loop3A_307 = tpu.vector_load %arg6[%parallel_loop3A_306] {strides = array<i32>} : memref<4096xf32, #tpu.memory_space<vmem>>, vector<16xf32>,
          %parallel_loop3A_308 = arith.subf %parallel_loop3A_307, %gather3A : vector<16xf32>
          %parallel_loop3A_309 = arith.index_cast %parallel_loop3A_305 : i32 to index
          %parallel_loop3A_310 = tpu.vector_load %arg7[%parallel_loop3A_309] {strides = array<i32>} : memref<4096xf32, #tpu.memory_space<vmem>>, vector<16xf32>,
          %parallel_loop3A_311 = arith.subf %parallel_loop3A_310, %gather3A_42 : vector<16xf32>
          %parallel_loop3A_312 = arith.index_cast %parallel_loop3A_305 : i32 to index
          %parallel_loop3A_313 = tpu.vector_load %arg8[%parallel_loop3A_312] {strides = array<i32>} : memref<4096xf32, #tpu.memory_space<vmem>>, vector<16xf32>,
          %parallel_loop3A_314 = arith.subf %parallel_loop3A_313, %gather3A_43 : vector<16xf32>
          %parallel_loop3A_315 = arith.mulf %parallel_loop3A_308, %parallel_loop3A_308 : vector<16xf32>
          %parallel_loop3A_316 = arith.mulf %parallel_loop3A_311, %parallel_loop3A_311 : vector<16xf32>
          %parallel_loop3A_317 = arith.addf %parallel_loop3A_315, %parallel_loop3A_316 : vector<16xf32>
          %parallel_loop3A_318 = arith.mulf %parallel_loop3A_314, %parallel_loop3A_314 : vector<16xf32>
          %parallel_loop3A_319 = arith.addf %parallel_loop3A_317, %parallel_loop3A_318 : vector<16xf32>
          %parallel_loop3A_320 = arith.index_cast %parallel_loop3A_305 : i32 to index
          %parallel_loop3A_321 = tpu.vector_load %arg9[%parallel_loop3A_320] {strides = array<i32>} : memref<4096xf32, #tpu.memory_space<vmem>>, vector<16xf32>,
          %parallel_loop3A_322 = arith.minimumf %parallel_loop3A_321, %parallel_loop3A_319 : vector<16xf32>
          %parallel_loop3A_323 = arith.index_cast %parallel_loop3A_305 : i32 to index
          %parallel_loop3A_324 = tpu.vector_load %arg9[%parallel_loop3A_323] {strides = array<i32>} : memref<4096xf32, #tpu.memory_space<vmem>>, vector<16xf32>,
          tpu.vector_store %arg9[%parallel_loop3A_323], %parallel_loop3A_322 {strides = array<i32>} : memref<4096xf32, #tpu.memory_space<vmem>>, vector<16xf32>,
          %parallel_loop3A_325 = arith.cmpf ogt, %parallel_loop3A_322, %parallel_loop3A_144 : vector<16xf32>
          %parallel_loop3A_326 = arith.select %parallel_loop3A_325, %parallel_loop3A_322, %parallel_loop3A_144 : vector<16xi1>, vector<16xf32>
          %parallel_loop3A_327 = vector.broadcast %parallel_loop3A_303 : i32 to vector<16xi32>
          %parallel_loop3A_328 = arith.select %parallel_loop3A_325, %parallel_loop3A_327, %parallel_loop3A_152 : vector<16xi1>, vector<16xi32>
          %parallel_loop3A_329 = arith.constant 8 : i32
          %parallel_loop3A_330 = arith.muli %parallel_loop3A_138, %parallel_loop3A_329 : i32
          %parallel_loop3A_331 = arith.constant 6 : i32
          %parallel_loop3A_332 = arith.addi %parallel_loop3A_330, %parallel_loop3A_331 : i32
          %parallel_loop3A_333 = arith.constant 16 : i32
          %parallel_loop3A_334 = arith.muli %parallel_loop3A_332, %parallel_loop3A_333 : i32
          %parallel_loop3A_335 = arith.index_cast %parallel_loop3A_334 : i32 to index
          %parallel_loop3A_336 = tpu.vector_load %arg6[%parallel_loop3A_335] {strides = array<i32>} : memref<4096xf32, #tpu.memory_space<vmem>>, vector<16xf32>,
          %parallel_loop3A_337 = arith.subf %parallel_loop3A_336, %gather3A : vector<16xf32>
          %parallel_loop3A_338 = arith.index_cast %parallel_loop3A_334 : i32 to index
          %parallel_loop3A_339 = tpu.vector_load %arg7[%parallel_loop3A_338] {strides = array<i32>} : memref<4096xf32, #tpu.memory_space<vmem>>, vector<16xf32>,
          %parallel_loop3A_340 = arith.subf %parallel_loop3A_339, %gather3A_42 : vector<16xf32>
          %parallel_loop3A_341 = arith.index_cast %parallel_loop3A_334 : i32 to index
          %parallel_loop3A_342 = tpu.vector_load %arg8[%parallel_loop3A_341] {strides = array<i32>} : memref<4096xf32, #tpu.memory_space<vmem>>, vector<16xf32>,
          %parallel_loop3A_343 = arith.subf %parallel_loop3A_342, %gather3A_43 : vector<16xf32>
          %parallel_loop3A_344 = arith.mulf %parallel_loop3A_337, %parallel_loop3A_337 : vector<16xf32>
          %parallel_loop3A_345 = arith.mulf %parallel_loop3A_340, %parallel_loop3A_340 : vector<16xf32>
          %parallel_loop3A_346 = arith.addf %parallel_loop3A_344, %parallel_loop3A_345 : vector<16xf32>
          %parallel_loop3A_347 = arith.mulf %parallel_loop3A_343, %parallel_loop3A_343 : vector<16xf32>
          %parallel_loop3A_348 = arith.addf %parallel_loop3A_346, %parallel_loop3A_347 : vector<16xf32>
          %parallel_loop3A_349 = arith.index_cast %parallel_loop3A_334 : i32 to index
          %parallel_loop3A_350 = tpu.vector_load %arg9[%parallel_loop3A_349] {strides = array<i32>} : memref<4096xf32, #tpu.memory_space<vmem>>, vector<16xf32>,
          %parallel_loop3A_351 = arith.minimumf %parallel_loop3A_350, %parallel_loop3A_348 : vector<16xf32>
          %parallel_loop3A_352 = arith.index_cast %parallel_loop3A_334 : i32 to index
          %parallel_loop3A_353 = tpu.vector_load %arg9[%parallel_loop3A_352] {strides = array<i32>} : memref<4096xf32, #tpu.memory_space<vmem>>, vector<16xf32>,
          tpu.vector_store %arg9[%parallel_loop3A_352], %parallel_loop3A_351 {strides = array<i32>} : memref<4096xf32, #tpu.memory_space<vmem>>, vector<16xf32>,
          %parallel_loop3A_354 = arith.cmpf ogt, %parallel_loop3A_351, %parallel_loop3A_145 : vector<16xf32>
          %parallel_loop3A_355 = arith.select %parallel_loop3A_354, %parallel_loop3A_351, %parallel_loop3A_145 : vector<16xi1>, vector<16xf32>
          %parallel_loop3A_356 = vector.broadcast %parallel_loop3A_332 : i32 to vector<16xi32>
          %parallel_loop3A_357 = arith.select %parallel_loop3A_354, %parallel_loop3A_356, %parallel_loop3A_153 : vector<16xi1>, vector<16xi32>
          %parallel_loop3A_358 = arith.constant 8 : i32
          %parallel_loop3A_359 = arith.muli %parallel_loop3A_138, %parallel_loop3A_358 : i32
          %parallel_loop3A_360 = arith.constant 7 : i32
          %parallel_loop3A_361 = arith.addi %parallel_loop3A_359, %parallel_loop3A_360 : i32
          %parallel_loop3A_362 = arith.constant 16 : i32
          %parallel_loop3A_363 = arith.muli %parallel_loop3A_361, %parallel_loop3A_362 : i32
          %parallel_loop3A_364 = arith.index_cast %parallel_loop3A_363 : i32 to index
          %parallel_loop3A_365 = tpu.vector_load %arg6[%parallel_loop3A_364] {strides = array<i32>} : memref<4096xf32, #tpu.memory_space<vmem>>, vector<16xf32>,
          %parallel_loop3A_366 = arith.subf %parallel_loop3A_365, %gather3A : vector<16xf32>
          %parallel_loop3A_367 = arith.index_cast %parallel_loop3A_363 : i32 to index
          %parallel_loop3A_368 = tpu.vector_load %arg7[%parallel_loop3A_367] {strides = array<i32>} : memref<4096xf32, #tpu.memory_space<vmem>>, vector<16xf32>,
          %parallel_loop3A_369 = arith.subf %parallel_loop3A_368, %gather3A_42 : vector<16xf32>
          %parallel_loop3A_370 = arith.index_cast %parallel_loop3A_363 : i32 to index
          %parallel_loop3A_371 = tpu.vector_load %arg8[%parallel_loop3A_370] {strides = array<i32>} : memref<4096xf32, #tpu.memory_space<vmem>>, vector<16xf32>,
          %parallel_loop3A_372 = arith.subf %parallel_loop3A_371, %gather3A_43 : vector<16xf32>
          %parallel_loop3A_373 = arith.mulf %parallel_loop3A_366, %parallel_loop3A_366 : vector<16xf32>
          %parallel_loop3A_374 = arith.mulf %parallel_loop3A_369, %parallel_loop3A_369 : vector<16xf32>
          %parallel_loop3A_375 = arith.addf %parallel_loop3A_373, %parallel_loop3A_374 : vector<16xf32>
          %parallel_loop3A_376 = arith.mulf %parallel_loop3A_372, %parallel_loop3A_372 : vector<16xf32>
          %parallel_loop3A_377 = arith.addf %parallel_loop3A_375, %parallel_loop3A_376 : vector<16xf32>
          %parallel_loop3A_378 = arith.index_cast %parallel_loop3A_363 : i32 to index
          %parallel_loop3A_379 = tpu.vector_load %arg9[%parallel_loop3A_378] {strides = array<i32>} : memref<4096xf32, #tpu.memory_space<vmem>>, vector<16xf32>,
          %parallel_loop3A_380 = arith.minimumf %parallel_loop3A_379, %parallel_loop3A_377 : vector<16xf32>
          %parallel_loop3A_381 = arith.index_cast %parallel_loop3A_363 : i32 to index
          %parallel_loop3A_382 = tpu.vector_load %arg9[%parallel_loop3A_381] {strides = array<i32>} : memref<4096xf32, #tpu.memory_space<vmem>>, vector<16xf32>,
          tpu.vector_store %arg9[%parallel_loop3A_381], %parallel_loop3A_380 {strides = array<i32>} : memref<4096xf32, #tpu.memory_space<vmem>>, vector<16xf32>,
          %parallel_loop3A_383 = arith.cmpf ogt, %parallel_loop3A_380, %parallel_loop3A_146 : vector<16xf32>
          %parallel_loop3A_384 = arith.select %parallel_loop3A_383, %parallel_loop3A_380, %parallel_loop3A_146 : vector<16xi1>, vector<16xf32>
          %parallel_loop3A_385 = vector.broadcast %parallel_loop3A_361 : i32 to vector<16xi32>
          %parallel_loop3A_386 = arith.select %parallel_loop3A_383, %parallel_loop3A_385, %parallel_loop3A_154 : vector<16xi1>, vector<16xi32>
          scf.yield %parallel_loop3A_181, %parallel_loop3A_210, %parallel_loop3A_239, %parallel_loop3A_268, %parallel_loop3A_297, %parallel_loop3A_326, %parallel_loop3A_355, %parallel_loop3A_384, %parallel_loop3A_183, %parallel_loop3A_212, %parallel_loop3A_241, %parallel_loop3A_270, %parallel_loop3A_299, %parallel_loop3A_328, %parallel_loop3A_357, %parallel_loop3A_386 : vector<16xf32>, vector<16xf32>, vector<16xf32>, vector<16xf32>, vector<16xf32>, vector<16xf32>, vector<16xf32>, vector<16xf32>, vector<16xi32>, vector<16xi32>, vector<16xi32>, vector<16xi32>, vector<16xi32>, vector<16xi32>, vector<16xi32>, vector<16xi32>
        } {sc.loop_unroll_factor = 1 : i64, sc.parallel_access}
        %max3A = arith.maximumf %parallel_loop3A_50#0, %parallel_loop3A_50#1 : vector<16xf32>
        %max3A_51 = arith.maximumf %max3A, %parallel_loop3A_50#2 : vector<16xf32>
        %max3A_52 = arith.maximumf %max3A_51, %parallel_loop3A_50#3 : vector<16xf32>
        %max3A_53 = arith.maximumf %max3A_52, %parallel_loop3A_50#4 : vector<16xf32>
        %max3A_54 = arith.maximumf %max3A_53, %parallel_loop3A_50#5 : vector<16xf32>
        %max3A_55 = arith.maximumf %max3A_54, %parallel_loop3A_50#6 : vector<16xf32>
        %max3A_56 = arith.maximumf %max3A_55, %parallel_loop3A_50#7 : vector<16xf32>
        %reduce_max3A = arith.constant true
        %reduce_max3A_57 = vector.broadcast %reduce_max3A : i1 to vector<16xi1>
        %reduce_max3A_58 = tpu.scan <max>, %max3A_56 masked %reduce_max3A_57 : vector<16xf32>, vector<16xi1> -> vector<16xf32>
        %reduce_max3A_59 = vector.extract %reduce_max3A_58[15] : f32 from vector<16xf32>
        %broadcast_in_dim3A_60 = arith.constant 1073741824 : i32
        %broadcast_in_dim3A_61 = vector.broadcast %broadcast_in_dim3A_60 : i32 to vector<16xi32>
        %mul3A_62 = arith.constant 16 : i32
        %mul3A_63 = vector.broadcast %mul3A_62 : i32 to vector<16xi32>
        %mul3A_64 = arith.muli %parallel_loop3A_50#8, %mul3A_63 : vector<16xi32>
        %add3A = arith.addi %mul3A_64, %iota3A : vector<16xi32>
        %eq3A_65 = vector.broadcast %reduce_max3A_59 : f32 to vector<16xf32>
        %eq3A_66 = arith.cmpf oeq, %parallel_loop3A_50#0, %eq3A_65 : vector<16xf32>
        %select_n3A = arith.select %eq3A_66, %add3A, %broadcast_in_dim3A_61 : vector<16xi1>, vector<16xi32>
        %min3A = arith.minsi %broadcast_in_dim3A_61, %select_n3A : vector<16xi32>
        %mul3A_67 = arith.constant 16 : i32
        %mul3A_68 = vector.broadcast %mul3A_67 : i32 to vector<16xi32>
        %mul3A_69 = arith.muli %parallel_loop3A_50#9, %mul3A_68 : vector<16xi32>
        %add3A_70 = arith.addi %mul3A_69, %iota3A : vector<16xi32>
        %eq3A_71 = vector.broadcast %reduce_max3A_59 : f32 to vector<16xf32>
        %eq3A_72 = arith.cmpf oeq, %parallel_loop3A_50#1, %eq3A_71 : vector<16xf32>
        %select_n3A_73 = arith.select %eq3A_72, %add3A_70, %broadcast_in_dim3A_61 : vector<16xi1>, vector<16xi32>
        %min3A_74 = arith.minsi %min3A, %select_n3A_73 : vector<16xi32>
        %mul3A_75 = arith.constant 16 : i32
        %mul3A_76 = vector.broadcast %mul3A_75 : i32 to vector<16xi32>
        %mul3A_77 = arith.muli %parallel_loop3A_50#10, %mul3A_76 : vector<16xi32>
        %add3A_78 = arith.addi %mul3A_77, %iota3A : vector<16xi32>
        %eq3A_79 = vector.broadcast %reduce_max3A_59 : f32 to vector<16xf32>
        %eq3A_80 = arith.cmpf oeq, %parallel_loop3A_50#2, %eq3A_79 : vector<16xf32>
        %select_n3A_81 = arith.select %eq3A_80, %add3A_78, %broadcast_in_dim3A_61 : vector<16xi1>, vector<16xi32>
        %min3A_82 = arith.minsi %min3A_74, %select_n3A_81 : vector<16xi32>
        %mul3A_83 = arith.constant 16 : i32
        %mul3A_84 = vector.broadcast %mul3A_83 : i32 to vector<16xi32>
        %mul3A_85 = arith.muli %parallel_loop3A_50#11, %mul3A_84 : vector<16xi32>
        %add3A_86 = arith.addi %mul3A_85, %iota3A : vector<16xi32>
        %eq3A_87 = vector.broadcast %reduce_max3A_59 : f32 to vector<16xf32>
        %eq3A_88 = arith.cmpf oeq, %parallel_loop3A_50#3, %eq3A_87 : vector<16xf32>
        %select_n3A_89 = arith.select %eq3A_88, %add3A_86, %broadcast_in_dim3A_61 : vector<16xi1>, vector<16xi32>
        %min3A_90 = arith.minsi %min3A_82, %select_n3A_89 : vector<16xi32>
        %mul3A_91 = arith.constant 16 : i32
        %mul3A_92 = vector.broadcast %mul3A_91 : i32 to vector<16xi32>
        %mul3A_93 = arith.muli %parallel_loop3A_50#12, %mul3A_92 : vector<16xi32>
        %add3A_94 = arith.addi %mul3A_93, %iota3A : vector<16xi32>
        %eq3A_95 = vector.broadcast %reduce_max3A_59 : f32 to vector<16xf32>
        %eq3A_96 = arith.cmpf oeq, %parallel_loop3A_50#4, %eq3A_95 : vector<16xf32>
        %select_n3A_97 = arith.select %eq3A_96, %add3A_94, %broadcast_in_dim3A_61 : vector<16xi1>, vector<16xi32>
        %min3A_98 = arith.minsi %min3A_90, %select_n3A_97 : vector<16xi32>
        %mul3A_99 = arith.constant 16 : i32
        %mul3A_100 = vector.broadcast %mul3A_99 : i32 to vector<16xi32>
        %mul3A_101 = arith.muli %parallel_loop3A_50#13, %mul3A_100 : vector<16xi32>
        %add3A_102 = arith.addi %mul3A_101, %iota3A : vector<16xi32>
        %eq3A_103 = vector.broadcast %reduce_max3A_59 : f32 to vector<16xf32>
        %eq3A_104 = arith.cmpf oeq, %parallel_loop3A_50#5, %eq3A_103 : vector<16xf32>
        %select_n3A_105 = arith.select %eq3A_104, %add3A_102, %broadcast_in_dim3A_61 : vector<16xi1>, vector<16xi32>
        %min3A_106 = arith.minsi %min3A_98, %select_n3A_105 : vector<16xi32>
        %mul3A_107 = arith.constant 16 : i32
        %mul3A_108 = vector.broadcast %mul3A_107 : i32 to vector<16xi32>
        %mul3A_109 = arith.muli %parallel_loop3A_50#14, %mul3A_108 : vector<16xi32>
        %add3A_110 = arith.addi %mul3A_109, %iota3A : vector<16xi32>
        %eq3A_111 = vector.broadcast %reduce_max3A_59 : f32 to vector<16xf32>
        %eq3A_112 = arith.cmpf oeq, %parallel_loop3A_50#6, %eq3A_111 : vector<16xf32>
        %select_n3A_113 = arith.select %eq3A_112, %add3A_110, %broadcast_in_dim3A_61 : vector<16xi1>, vector<16xi32>
        %min3A_114 = arith.minsi %min3A_106, %select_n3A_113 : vector<16xi32>
        %mul3A_115 = arith.constant 16 : i32
        %mul3A_116 = vector.broadcast %mul3A_115 : i32 to vector<16xi32>
        %mul3A_117 = arith.muli %parallel_loop3A_50#15, %mul3A_116 : vector<16xi32>
        %add3A_118 = arith.addi %mul3A_117, %iota3A : vector<16xi32>
        %eq3A_119 = vector.broadcast %reduce_max3A_59 : f32 to vector<16xf32>
        %eq3A_120 = arith.cmpf oeq, %parallel_loop3A_50#7, %eq3A_119 : vector<16xf32>
        %select_n3A_121 = arith.select %eq3A_120, %add3A_118, %broadcast_in_dim3A_61 : vector<16xi1>, vector<16xi32>
        %min3A_122 = arith.minsi %min3A_114, %select_n3A_121 : vector<16xi32>
        %reduce_min3A = arith.constant true
        %reduce_min3A_123 = vector.broadcast %reduce_min3A : i1 to vector<16xi1>
        %reduce_min3A_124 = arith.constant -2147483648 : i32
        %reduce_min3A_125 = vector.broadcast %reduce_min3A_124 : i32 to vector<16xi32>
        %reduce_min3A_126 = arith.xori %min3A_122, %reduce_min3A_125 : vector<16xi32>
        %reduce_min3A_127 = tpu.scan <min>, %reduce_min3A_126 masked %reduce_min3A_123 : vector<16xi32>, vector<16xi1> -> vector<16xi32>
        %reduce_min3A_128 = arith.xori %reduce_min3A_127, %reduce_min3A_125 : vector<16xi32>
        %reduce_min3A_129 = vector.extract %reduce_min3A_128[15] : i32 from vector<16xi32>
        %broadcast_in_dim3A_130 = vector.broadcast %while3A_39 : i32 to vector<16xi32>
        %mul3A_131 = arith.constant 4096 : i32
        %mul3A_132 = arith.muli %arg1, %mul3A_131 : i32
        %add3A_133 = arith.addi %mul3A_132, %reduce_min3A_129 : i32
        %broadcast_in_dim3A_134 = vector.broadcast %add3A_133 : i32 to vector<16xi32>
        %eq3A_135 = arith.constant 0 : i32
        %eq3A_136 = vector.broadcast %eq3A_135 : i32 to vector<16xi32>
        %eq3A_137 = arith.cmpi eq, %iota3A, %eq3A_136 : vector<16xi32>
        tpu.vector_store_idx %arg10[%broadcast_in_dim3A_130], %broadcast_in_dim3A_134 masked %eq3A_137 : memref<1024xi32, #tpu.memory_space<vmem>>[vector<16xi32>], vector<16xi32>, vector<16xi1>
        scf.yield %reduce_min3A_129 : i32
      }
      %while3A_37 = arith.constant 1 : i32
      %while3A_38 = scf.for %while3A_39 = %while3A_34 to %while3A_30 step %while3A_37 iter_args(%while3A_40 = %while3A_36) -> (i32)  : i32 {
        %broadcast_in_dim3A_41 = vector.broadcast %while3A_40 : i32 to vector<16xi32>
        %gather3A = tpu.vector_load_idx %arg6[%broadcast_in_dim3A_41] : memref<4096xf32, #tpu.memory_space<vmem>>[vector<16xi32>], vector<16xf32>,
        %gather3A_42 = tpu.vector_load_idx %arg7[%broadcast_in_dim3A_41] : memref<4096xf32, #tpu.memory_space<vmem>>[vector<16xi32>], vector<16xf32>,
        %gather3A_43 = tpu.vector_load_idx %arg8[%broadcast_in_dim3A_41] : memref<4096xf32, #tpu.memory_space<vmem>>[vector<16xi32>], vector<16xf32>,
        %broadcast_in_dim3A_44 = arith.constant -1.000000e+00 : f32
        %broadcast_in_dim3A_45 = vector.broadcast %broadcast_in_dim3A_44 : f32 to vector<16xf32>
        %broadcast_in_dim3A_46 = arith.constant 0 : i32
        %broadcast_in_dim3A_47 = vector.broadcast %broadcast_in_dim3A_46 : i32 to vector<16xi32>
        %parallel_loop3A = arith.constant 0 : i32
        %parallel_loop3A_48 = arith.constant 32 : i32
        %parallel_loop3A_49 = arith.constant 1 : i32
        %parallel_loop3A_50:16 = scf.for %parallel_loop3A_138 = %parallel_loop3A to %parallel_loop3A_48 step %parallel_loop3A_49 iter_args(%parallel_loop3A_139 = %broadcast_in_dim3A_45, %parallel_loop3A_140 = %broadcast_in_dim3A_45, %parallel_loop3A_141 = %broadcast_in_dim3A_45, %parallel_loop3A_142 = %broadcast_in_dim3A_45, %parallel_loop3A_143 = %broadcast_in_dim3A_45, %parallel_loop3A_144 = %broadcast_in_dim3A_45, %parallel_loop3A_145 = %broadcast_in_dim3A_45, %parallel_loop3A_146 = %broadcast_in_dim3A_45, %parallel_loop3A_147 = %broadcast_in_dim3A_47, %parallel_loop3A_148 = %broadcast_in_dim3A_47, %parallel_loop3A_149 = %broadcast_in_dim3A_47, %parallel_loop3A_150 = %broadcast_in_dim3A_47, %parallel_loop3A_151 = %broadcast_in_dim3A_47, %parallel_loop3A_152 = %broadcast_in_dim3A_47, %parallel_loop3A_153 = %broadcast_in_dim3A_47, %parallel_loop3A_154 = %broadcast_in_dim3A_47) -> (vector<16xf32>, vector<16xf32>, vector<16xf32>, vector<16xf32>, vector<16xf32>, vector<16xf32>, vector<16xf32>, vector<16xf32>, vector<16xi32>, vector<16xi32>, vector<16xi32>, vector<16xi32>, vector<16xi32>, vector<16xi32>, vector<16xi32>, vector<16xi32>)  : i32 {
          %parallel_loop3A_155 = arith.constant 8 : i32
          %parallel_loop3A_156 = arith.muli %parallel_loop3A_138, %parallel_loop3A_155 : i32
          %parallel_loop3A_157 = arith.constant 0 : i32
          %parallel_loop3A_158 = arith.addi %parallel_loop3A_156, %parallel_loop3A_157 : i32
          %parallel_loop3A_159 = arith.constant 16 : i32
          %parallel_loop3A_160 = arith.muli %parallel_loop3A_158, %parallel_loop3A_159 : i32
          %parallel_loop3A_161 = arith.index_cast %parallel_loop3A_160 : i32 to index
          %parallel_loop3A_162 = tpu.vector_load %arg6[%parallel_loop3A_161] {strides = array<i32>} : memref<4096xf32, #tpu.memory_space<vmem>>, vector<16xf32>,
          %parallel_loop3A_163 = arith.subf %parallel_loop3A_162, %gather3A : vector<16xf32>
          %parallel_loop3A_164 = arith.index_cast %parallel_loop3A_160 : i32 to index
          %parallel_loop3A_165 = tpu.vector_load %arg7[%parallel_loop3A_164] {strides = array<i32>} : memref<4096xf32, #tpu.memory_space<vmem>>, vector<16xf32>,
          %parallel_loop3A_166 = arith.subf %parallel_loop3A_165, %gather3A_42 : vector<16xf32>
          %parallel_loop3A_167 = arith.index_cast %parallel_loop3A_160 : i32 to index
          %parallel_loop3A_168 = tpu.vector_load %arg8[%parallel_loop3A_167] {strides = array<i32>} : memref<4096xf32, #tpu.memory_space<vmem>>, vector<16xf32>,
          %parallel_loop3A_169 = arith.subf %parallel_loop3A_168, %gather3A_43 : vector<16xf32>
          %parallel_loop3A_170 = arith.mulf %parallel_loop3A_163, %parallel_loop3A_163 : vector<16xf32>
          %parallel_loop3A_171 = arith.mulf %parallel_loop3A_166, %parallel_loop3A_166 : vector<16xf32>
          %parallel_loop3A_172 = arith.addf %parallel_loop3A_170, %parallel_loop3A_171 : vector<16xf32>
          %parallel_loop3A_173 = arith.mulf %parallel_loop3A_169, %parallel_loop3A_169 : vector<16xf32>
          %parallel_loop3A_174 = arith.addf %parallel_loop3A_172, %parallel_loop3A_173 : vector<16xf32>
          %parallel_loop3A_175 = arith.index_cast %parallel_loop3A_160 : i32 to index
          %parallel_loop3A_176 = tpu.vector_load %arg9[%parallel_loop3A_175] {strides = array<i32>} : memref<4096xf32, #tpu.memory_space<vmem>>, vector<16xf32>,
          %parallel_loop3A_177 = arith.minimumf %parallel_loop3A_176, %parallel_loop3A_174 : vector<16xf32>
          %parallel_loop3A_178 = arith.index_cast %parallel_loop3A_160 : i32 to index
          %parallel_loop3A_179 = tpu.vector_load %arg9[%parallel_loop3A_178] {strides = array<i32>} : memref<4096xf32, #tpu.memory_space<vmem>>, vector<16xf32>,
          tpu.vector_store %arg9[%parallel_loop3A_178], %parallel_loop3A_177 {strides = array<i32>} : memref<4096xf32, #tpu.memory_space<vmem>>, vector<16xf32>,
          %parallel_loop3A_180 = arith.cmpf ogt, %parallel_loop3A_177, %parallel_loop3A_139 : vector<16xf32>
          %parallel_loop3A_181 = arith.select %parallel_loop3A_180, %parallel_loop3A_177, %parallel_loop3A_139 : vector<16xi1>, vector<16xf32>
          %parallel_loop3A_182 = vector.broadcast %parallel_loop3A_158 : i32 to vector<16xi32>
          %parallel_loop3A_183 = arith.select %parallel_loop3A_180, %parallel_loop3A_182, %parallel_loop3A_147 : vector<16xi1>, vector<16xi32>
          %parallel_loop3A_184 = arith.constant 8 : i32
          %parallel_loop3A_185 = arith.muli %parallel_loop3A_138, %parallel_loop3A_184 : i32
          %parallel_loop3A_186 = arith.constant 1 : i32
          %parallel_loop3A_187 = arith.addi %parallel_loop3A_185, %parallel_loop3A_186 : i32
          %parallel_loop3A_188 = arith.constant 16 : i32
          %parallel_loop3A_189 = arith.muli %parallel_loop3A_187, %parallel_loop3A_188 : i32
          %parallel_loop3A_190 = arith.index_cast %parallel_loop3A_189 : i32 to index
          %parallel_loop3A_191 = tpu.vector_load %arg6[%parallel_loop3A_190] {strides = array<i32>} : memref<4096xf32, #tpu.memory_space<vmem>>, vector<16xf32>,
          %parallel_loop3A_192 = arith.subf %parallel_loop3A_191, %gather3A : vector<16xf32>
          %parallel_loop3A_193 = arith.index_cast %parallel_loop3A_189 : i32 to index
          %parallel_loop3A_194 = tpu.vector_load %arg7[%parallel_loop3A_193] {strides = array<i32>} : memref<4096xf32, #tpu.memory_space<vmem>>, vector<16xf32>,
          %parallel_loop3A_195 = arith.subf %parallel_loop3A_194, %gather3A_42 : vector<16xf32>
          %parallel_loop3A_196 = arith.index_cast %parallel_loop3A_189 : i32 to index
          %parallel_loop3A_197 = tpu.vector_load %arg8[%parallel_loop3A_196] {strides = array<i32>} : memref<4096xf32, #tpu.memory_space<vmem>>, vector<16xf32>,
          %parallel_loop3A_198 = arith.subf %parallel_loop3A_197, %gather3A_43 : vector<16xf32>
          %parallel_loop3A_199 = arith.mulf %parallel_loop3A_192, %parallel_loop3A_192 : vector<16xf32>
          %parallel_loop3A_200 = arith.mulf %parallel_loop3A_195, %parallel_loop3A_195 : vector<16xf32>
          %parallel_loop3A_201 = arith.addf %parallel_loop3A_199, %parallel_loop3A_200 : vector<16xf32>
          %parallel_loop3A_202 = arith.mulf %parallel_loop3A_198, %parallel_loop3A_198 : vector<16xf32>
          %parallel_loop3A_203 = arith.addf %parallel_loop3A_201, %parallel_loop3A_202 : vector<16xf32>
          %parallel_loop3A_204 = arith.index_cast %parallel_loop3A_189 : i32 to index
          %parallel_loop3A_205 = tpu.vector_load %arg9[%parallel_loop3A_204] {strides = array<i32>} : memref<4096xf32, #tpu.memory_space<vmem>>, vector<16xf32>,
          %parallel_loop3A_206 = arith.minimumf %parallel_loop3A_205, %parallel_loop3A_203 : vector<16xf32>
          %parallel_loop3A_207 = arith.index_cast %parallel_loop3A_189 : i32 to index
          %parallel_loop3A_208 = tpu.vector_load %arg9[%parallel_loop3A_207] {strides = array<i32>} : memref<4096xf32, #tpu.memory_space<vmem>>, vector<16xf32>,
          tpu.vector_store %arg9[%parallel_loop3A_207], %parallel_loop3A_206 {strides = array<i32>} : memref<4096xf32, #tpu.memory_space<vmem>>, vector<16xf32>,
          %parallel_loop3A_209 = arith.cmpf ogt, %parallel_loop3A_206, %parallel_loop3A_140 : vector<16xf32>
          %parallel_loop3A_210 = arith.select %parallel_loop3A_209, %parallel_loop3A_206, %parallel_loop3A_140 : vector<16xi1>, vector<16xf32>
          %parallel_loop3A_211 = vector.broadcast %parallel_loop3A_187 : i32 to vector<16xi32>
          %parallel_loop3A_212 = arith.select %parallel_loop3A_209, %parallel_loop3A_211, %parallel_loop3A_148 : vector<16xi1>, vector<16xi32>
          %parallel_loop3A_213 = arith.constant 8 : i32
          %parallel_loop3A_214 = arith.muli %parallel_loop3A_138, %parallel_loop3A_213 : i32
          %parallel_loop3A_215 = arith.constant 2 : i32
          %parallel_loop3A_216 = arith.addi %parallel_loop3A_214, %parallel_loop3A_215 : i32
          %parallel_loop3A_217 = arith.constant 16 : i32
          %parallel_loop3A_218 = arith.muli %parallel_loop3A_216, %parallel_loop3A_217 : i32
          %parallel_loop3A_219 = arith.index_cast %parallel_loop3A_218 : i32 to index
          %parallel_loop3A_220 = tpu.vector_load %arg6[%parallel_loop3A_219] {strides = array<i32>} : memref<4096xf32, #tpu.memory_space<vmem>>, vector<16xf32>,
          %parallel_loop3A_221 = arith.subf %parallel_loop3A_220, %gather3A : vector<16xf32>
          %parallel_loop3A_222 = arith.index_cast %parallel_loop3A_218 : i32 to index
          %parallel_loop3A_223 = tpu.vector_load %arg7[%parallel_loop3A_222] {strides = array<i32>} : memref<4096xf32, #tpu.memory_space<vmem>>, vector<16xf32>,
          %parallel_loop3A_224 = arith.subf %parallel_loop3A_223, %gather3A_42 : vector<16xf32>
          %parallel_loop3A_225 = arith.index_cast %parallel_loop3A_218 : i32 to index
          %parallel_loop3A_226 = tpu.vector_load %arg8[%parallel_loop3A_225] {strides = array<i32>} : memref<4096xf32, #tpu.memory_space<vmem>>, vector<16xf32>,
          %parallel_loop3A_227 = arith.subf %parallel_loop3A_226, %gather3A_43 : vector<16xf32>
          %parallel_loop3A_228 = arith.mulf %parallel_loop3A_221, %parallel_loop3A_221 : vector<16xf32>
          %parallel_loop3A_229 = arith.mulf %parallel_loop3A_224, %parallel_loop3A_224 : vector<16xf32>
          %parallel_loop3A_230 = arith.addf %parallel_loop3A_228, %parallel_loop3A_229 : vector<16xf32>
          %parallel_loop3A_231 = arith.mulf %parallel_loop3A_227, %parallel_loop3A_227 : vector<16xf32>
          %parallel_loop3A_232 = arith.addf %parallel_loop3A_230, %parallel_loop3A_231 : vector<16xf32>
          %parallel_loop3A_233 = arith.index_cast %parallel_loop3A_218 : i32 to index
          %parallel_loop3A_234 = tpu.vector_load %arg9[%parallel_loop3A_233] {strides = array<i32>} : memref<4096xf32, #tpu.memory_space<vmem>>, vector<16xf32>,
          %parallel_loop3A_235 = arith.minimumf %parallel_loop3A_234, %parallel_loop3A_232 : vector<16xf32>
          %parallel_loop3A_236 = arith.index_cast %parallel_loop3A_218 : i32 to index
          %parallel_loop3A_237 = tpu.vector_load %arg9[%parallel_loop3A_236] {strides = array<i32>} : memref<4096xf32, #tpu.memory_space<vmem>>, vector<16xf32>,
          tpu.vector_store %arg9[%parallel_loop3A_236], %parallel_loop3A_235 {strides = array<i32>} : memref<4096xf32, #tpu.memory_space<vmem>>, vector<16xf32>,
          %parallel_loop3A_238 = arith.cmpf ogt, %parallel_loop3A_235, %parallel_loop3A_141 : vector<16xf32>
          %parallel_loop3A_239 = arith.select %parallel_loop3A_238, %parallel_loop3A_235, %parallel_loop3A_141 : vector<16xi1>, vector<16xf32>
          %parallel_loop3A_240 = vector.broadcast %parallel_loop3A_216 : i32 to vector<16xi32>
          %parallel_loop3A_241 = arith.select %parallel_loop3A_238, %parallel_loop3A_240, %parallel_loop3A_149 : vector<16xi1>, vector<16xi32>
          %parallel_loop3A_242 = arith.constant 8 : i32
          %parallel_loop3A_243 = arith.muli %parallel_loop3A_138, %parallel_loop3A_242 : i32
          %parallel_loop3A_244 = arith.constant 3 : i32
          %parallel_loop3A_245 = arith.addi %parallel_loop3A_243, %parallel_loop3A_244 : i32
          %parallel_loop3A_246 = arith.constant 16 : i32
          %parallel_loop3A_247 = arith.muli %parallel_loop3A_245, %parallel_loop3A_246 : i32
          %parallel_loop3A_248 = arith.index_cast %parallel_loop3A_247 : i32 to index
          %parallel_loop3A_249 = tpu.vector_load %arg6[%parallel_loop3A_248] {strides = array<i32>} : memref<4096xf32, #tpu.memory_space<vmem>>, vector<16xf32>,
          %parallel_loop3A_250 = arith.subf %parallel_loop3A_249, %gather3A : vector<16xf32>
          %parallel_loop3A_251 = arith.index_cast %parallel_loop3A_247 : i32 to index
          %parallel_loop3A_252 = tpu.vector_load %arg7[%parallel_loop3A_251] {strides = array<i32>} : memref<4096xf32, #tpu.memory_space<vmem>>, vector<16xf32>,
          %parallel_loop3A_253 = arith.subf %parallel_loop3A_252, %gather3A_42 : vector<16xf32>
          %parallel_loop3A_254 = arith.index_cast %parallel_loop3A_247 : i32 to index
          %parallel_loop3A_255 = tpu.vector_load %arg8[%parallel_loop3A_254] {strides = array<i32>} : memref<4096xf32, #tpu.memory_space<vmem>>, vector<16xf32>,
          %parallel_loop3A_256 = arith.subf %parallel_loop3A_255, %gather3A_43 : vector<16xf32>
          %parallel_loop3A_257 = arith.mulf %parallel_loop3A_250, %parallel_loop3A_250 : vector<16xf32>
          %parallel_loop3A_258 = arith.mulf %parallel_loop3A_253, %parallel_loop3A_253 : vector<16xf32>
          %parallel_loop3A_259 = arith.addf %parallel_loop3A_257, %parallel_loop3A_258 : vector<16xf32>
          %parallel_loop3A_260 = arith.mulf %parallel_loop3A_256, %parallel_loop3A_256 : vector<16xf32>
          %parallel_loop3A_261 = arith.addf %parallel_loop3A_259, %parallel_loop3A_260 : vector<16xf32>
          %parallel_loop3A_262 = arith.index_cast %parallel_loop3A_247 : i32 to index
          %parallel_loop3A_263 = tpu.vector_load %arg9[%parallel_loop3A_262] {strides = array<i32>} : memref<4096xf32, #tpu.memory_space<vmem>>, vector<16xf32>,
          %parallel_loop3A_264 = arith.minimumf %parallel_loop3A_263, %parallel_loop3A_261 : vector<16xf32>
          %parallel_loop3A_265 = arith.index_cast %parallel_loop3A_247 : i32 to index
          %parallel_loop3A_266 = tpu.vector_load %arg9[%parallel_loop3A_265] {strides = array<i32>} : memref<4096xf32, #tpu.memory_space<vmem>>, vector<16xf32>,
          tpu.vector_store %arg9[%parallel_loop3A_265], %parallel_loop3A_264 {strides = array<i32>} : memref<4096xf32, #tpu.memory_space<vmem>>, vector<16xf32>,
          %parallel_loop3A_267 = arith.cmpf ogt, %parallel_loop3A_264, %parallel_loop3A_142 : vector<16xf32>
          %parallel_loop3A_268 = arith.select %parallel_loop3A_267, %parallel_loop3A_264, %parallel_loop3A_142 : vector<16xi1>, vector<16xf32>
          %parallel_loop3A_269 = vector.broadcast %parallel_loop3A_245 : i32 to vector<16xi32>
          %parallel_loop3A_270 = arith.select %parallel_loop3A_267, %parallel_loop3A_269, %parallel_loop3A_150 : vector<16xi1>, vector<16xi32>
          %parallel_loop3A_271 = arith.constant 8 : i32
          %parallel_loop3A_272 = arith.muli %parallel_loop3A_138, %parallel_loop3A_271 : i32
          %parallel_loop3A_273 = arith.constant 4 : i32
          %parallel_loop3A_274 = arith.addi %parallel_loop3A_272, %parallel_loop3A_273 : i32
          %parallel_loop3A_275 = arith.constant 16 : i32
          %parallel_loop3A_276 = arith.muli %parallel_loop3A_274, %parallel_loop3A_275 : i32
          %parallel_loop3A_277 = arith.index_cast %parallel_loop3A_276 : i32 to index
          %parallel_loop3A_278 = tpu.vector_load %arg6[%parallel_loop3A_277] {strides = array<i32>} : memref<4096xf32, #tpu.memory_space<vmem>>, vector<16xf32>,
          %parallel_loop3A_279 = arith.subf %parallel_loop3A_278, %gather3A : vector<16xf32>
          %parallel_loop3A_280 = arith.index_cast %parallel_loop3A_276 : i32 to index
          %parallel_loop3A_281 = tpu.vector_load %arg7[%parallel_loop3A_280] {strides = array<i32>} : memref<4096xf32, #tpu.memory_space<vmem>>, vector<16xf32>,
          %parallel_loop3A_282 = arith.subf %parallel_loop3A_281, %gather3A_42 : vector<16xf32>
          %parallel_loop3A_283 = arith.index_cast %parallel_loop3A_276 : i32 to index
          %parallel_loop3A_284 = tpu.vector_load %arg8[%parallel_loop3A_283] {strides = array<i32>} : memref<4096xf32, #tpu.memory_space<vmem>>, vector<16xf32>,
          %parallel_loop3A_285 = arith.subf %parallel_loop3A_284, %gather3A_43 : vector<16xf32>
          %parallel_loop3A_286 = arith.mulf %parallel_loop3A_279, %parallel_loop3A_279 : vector<16xf32>
          %parallel_loop3A_287 = arith.mulf %parallel_loop3A_282, %parallel_loop3A_282 : vector<16xf32>
          %parallel_loop3A_288 = arith.addf %parallel_loop3A_286, %parallel_loop3A_287 : vector<16xf32>
          %parallel_loop3A_289 = arith.mulf %parallel_loop3A_285, %parallel_loop3A_285 : vector<16xf32>
          %parallel_loop3A_290 = arith.addf %parallel_loop3A_288, %parallel_loop3A_289 : vector<16xf32>
          %parallel_loop3A_291 = arith.index_cast %parallel_loop3A_276 : i32 to index
          %parallel_loop3A_292 = tpu.vector_load %arg9[%parallel_loop3A_291] {strides = array<i32>} : memref<4096xf32, #tpu.memory_space<vmem>>, vector<16xf32>,
          %parallel_loop3A_293 = arith.minimumf %parallel_loop3A_292, %parallel_loop3A_290 : vector<16xf32>
          %parallel_loop3A_294 = arith.index_cast %parallel_loop3A_276 : i32 to index
          %parallel_loop3A_295 = tpu.vector_load %arg9[%parallel_loop3A_294] {strides = array<i32>} : memref<4096xf32, #tpu.memory_space<vmem>>, vector<16xf32>,
          tpu.vector_store %arg9[%parallel_loop3A_294], %parallel_loop3A_293 {strides = array<i32>} : memref<4096xf32, #tpu.memory_space<vmem>>, vector<16xf32>,
          %parallel_loop3A_296 = arith.cmpf ogt, %parallel_loop3A_293, %parallel_loop3A_143 : vector<16xf32>
          %parallel_loop3A_297 = arith.select %parallel_loop3A_296, %parallel_loop3A_293, %parallel_loop3A_143 : vector<16xi1>, vector<16xf32>
          %parallel_loop3A_298 = vector.broadcast %parallel_loop3A_274 : i32 to vector<16xi32>
          %parallel_loop3A_299 = arith.select %parallel_loop3A_296, %parallel_loop3A_298, %parallel_loop3A_151 : vector<16xi1>, vector<16xi32>
          %parallel_loop3A_300 = arith.constant 8 : i32
          %parallel_loop3A_301 = arith.muli %parallel_loop3A_138, %parallel_loop3A_300 : i32
          %parallel_loop3A_302 = arith.constant 5 : i32
          %parallel_loop3A_303 = arith.addi %parallel_loop3A_301, %parallel_loop3A_302 : i32
          %parallel_loop3A_304 = arith.constant 16 : i32
          %parallel_loop3A_305 = arith.muli %parallel_loop3A_303, %parallel_loop3A_304 : i32
          %parallel_loop3A_306 = arith.index_cast %parallel_loop3A_305 : i32 to index
          %parallel_loop3A_307 = tpu.vector_load %arg6[%parallel_loop3A_306] {strides = array<i32>} : memref<4096xf32, #tpu.memory_space<vmem>>, vector<16xf32>,
          %parallel_loop3A_308 = arith.subf %parallel_loop3A_307, %gather3A : vector<16xf32>
          %parallel_loop3A_309 = arith.index_cast %parallel_loop3A_305 : i32 to index
          %parallel_loop3A_310 = tpu.vector_load %arg7[%parallel_loop3A_309] {strides = array<i32>} : memref<4096xf32, #tpu.memory_space<vmem>>, vector<16xf32>,
          %parallel_loop3A_311 = arith.subf %parallel_loop3A_310, %gather3A_42 : vector<16xf32>
          %parallel_loop3A_312 = arith.index_cast %parallel_loop3A_305 : i32 to index
          %parallel_loop3A_313 = tpu.vector_load %arg8[%parallel_loop3A_312] {strides = array<i32>} : memref<4096xf32, #tpu.memory_space<vmem>>, vector<16xf32>,
          %parallel_loop3A_314 = arith.subf %parallel_loop3A_313, %gather3A_43 : vector<16xf32>
          %parallel_loop3A_315 = arith.mulf %parallel_loop3A_308, %parallel_loop3A_308 : vector<16xf32>
          %parallel_loop3A_316 = arith.mulf %parallel_loop3A_311, %parallel_loop3A_311 : vector<16xf32>
          %parallel_loop3A_317 = arith.addf %parallel_loop3A_315, %parallel_loop3A_316 : vector<16xf32>
          %parallel_loop3A_318 = arith.mulf %parallel_loop3A_314, %parallel_loop3A_314 : vector<16xf32>
          %parallel_loop3A_319 = arith.addf %parallel_loop3A_317, %parallel_loop3A_318 : vector<16xf32>
          %parallel_loop3A_320 = arith.index_cast %parallel_loop3A_305 : i32 to index
          %parallel_loop3A_321 = tpu.vector_load %arg9[%parallel_loop3A_320] {strides = array<i32>} : memref<4096xf32, #tpu.memory_space<vmem>>, vector<16xf32>,
          %parallel_loop3A_322 = arith.minimumf %parallel_loop3A_321, %parallel_loop3A_319 : vector<16xf32>
          %parallel_loop3A_323 = arith.index_cast %parallel_loop3A_305 : i32 to index
          %parallel_loop3A_324 = tpu.vector_load %arg9[%parallel_loop3A_323] {strides = array<i32>} : memref<4096xf32, #tpu.memory_space<vmem>>, vector<16xf32>,
          tpu.vector_store %arg9[%parallel_loop3A_323], %parallel_loop3A_322 {strides = array<i32>} : memref<4096xf32, #tpu.memory_space<vmem>>, vector<16xf32>,
          %parallel_loop3A_325 = arith.cmpf ogt, %parallel_loop3A_322, %parallel_loop3A_144 : vector<16xf32>
          %parallel_loop3A_326 = arith.select %parallel_loop3A_325, %parallel_loop3A_322, %parallel_loop3A_144 : vector<16xi1>, vector<16xf32>
          %parallel_loop3A_327 = vector.broadcast %parallel_loop3A_303 : i32 to vector<16xi32>
          %parallel_loop3A_328 = arith.select %parallel_loop3A_325, %parallel_loop3A_327, %parallel_loop3A_152 : vector<16xi1>, vector<16xi32>
          %parallel_loop3A_329 = arith.constant 8 : i32
          %parallel_loop3A_330 = arith.muli %parallel_loop3A_138, %parallel_loop3A_329 : i32
          %parallel_loop3A_331 = arith.constant 6 : i32
          %parallel_loop3A_332 = arith.addi %parallel_loop3A_330, %parallel_loop3A_331 : i32
          %parallel_loop3A_333 = arith.constant 16 : i32
          %parallel_loop3A_334 = arith.muli %parallel_loop3A_332, %parallel_loop3A_333 : i32
          %parallel_loop3A_335 = arith.index_cast %parallel_loop3A_334 : i32 to index
          %parallel_loop3A_336 = tpu.vector_load %arg6[%parallel_loop3A_335] {strides = array<i32>} : memref<4096xf32, #tpu.memory_space<vmem>>, vector<16xf32>,
          %parallel_loop3A_337 = arith.subf %parallel_loop3A_336, %gather3A : vector<16xf32>
          %parallel_loop3A_338 = arith.index_cast %parallel_loop3A_334 : i32 to index
          %parallel_loop3A_339 = tpu.vector_load %arg7[%parallel_loop3A_338] {strides = array<i32>} : memref<4096xf32, #tpu.memory_space<vmem>>, vector<16xf32>,
          %parallel_loop3A_340 = arith.subf %parallel_loop3A_339, %gather3A_42 : vector<16xf32>
          %parallel_loop3A_341 = arith.index_cast %parallel_loop3A_334 : i32 to index
          %parallel_loop3A_342 = tpu.vector_load %arg8[%parallel_loop3A_341] {strides = array<i32>} : memref<4096xf32, #tpu.memory_space<vmem>>, vector<16xf32>,
          %parallel_loop3A_343 = arith.subf %parallel_loop3A_342, %gather3A_43 : vector<16xf32>
          %parallel_loop3A_344 = arith.mulf %parallel_loop3A_337, %parallel_loop3A_337 : vector<16xf32>
          %parallel_loop3A_345 = arith.mulf %parallel_loop3A_340, %parallel_loop3A_340 : vector<16xf32>
          %parallel_loop3A_346 = arith.addf %parallel_loop3A_344, %parallel_loop3A_345 : vector<16xf32>
          %parallel_loop3A_347 = arith.mulf %parallel_loop3A_343, %parallel_loop3A_343 : vector<16xf32>
          %parallel_loop3A_348 = arith.addf %parallel_loop3A_346, %parallel_loop3A_347 : vector<16xf32>
          %parallel_loop3A_349 = arith.index_cast %parallel_loop3A_334 : i32 to index
          %parallel_loop3A_350 = tpu.vector_load %arg9[%parallel_loop3A_349] {strides = array<i32>} : memref<4096xf32, #tpu.memory_space<vmem>>, vector<16xf32>,
          %parallel_loop3A_351 = arith.minimumf %parallel_loop3A_350, %parallel_loop3A_348 : vector<16xf32>
          %parallel_loop3A_352 = arith.index_cast %parallel_loop3A_334 : i32 to index
          %parallel_loop3A_353 = tpu.vector_load %arg9[%parallel_loop3A_352] {strides = array<i32>} : memref<4096xf32, #tpu.memory_space<vmem>>, vector<16xf32>,
          tpu.vector_store %arg9[%parallel_loop3A_352], %parallel_loop3A_351 {strides = array<i32>} : memref<4096xf32, #tpu.memory_space<vmem>>, vector<16xf32>,
          %parallel_loop3A_354 = arith.cmpf ogt, %parallel_loop3A_351, %parallel_loop3A_145 : vector<16xf32>
          %parallel_loop3A_355 = arith.select %parallel_loop3A_354, %parallel_loop3A_351, %parallel_loop3A_145 : vector<16xi1>, vector<16xf32>
          %parallel_loop3A_356 = vector.broadcast %parallel_loop3A_332 : i32 to vector<16xi32>
          %parallel_loop3A_357 = arith.select %parallel_loop3A_354, %parallel_loop3A_356, %parallel_loop3A_153 : vector<16xi1>, vector<16xi32>
          %parallel_loop3A_358 = arith.constant 8 : i32
          %parallel_loop3A_359 = arith.muli %parallel_loop3A_138, %parallel_loop3A_358 : i32
          %parallel_loop3A_360 = arith.constant 7 : i32
          %parallel_loop3A_361 = arith.addi %parallel_loop3A_359, %parallel_loop3A_360 : i32
          %parallel_loop3A_362 = arith.constant 16 : i32
          %parallel_loop3A_363 = arith.muli %parallel_loop3A_361, %parallel_loop3A_362 : i32
          %parallel_loop3A_364 = arith.index_cast %parallel_loop3A_363 : i32 to index
          %parallel_loop3A_365 = tpu.vector_load %arg6[%parallel_loop3A_364] {strides = array<i32>} : memref<4096xf32, #tpu.memory_space<vmem>>, vector<16xf32>,
          %parallel_loop3A_366 = arith.subf %parallel_loop3A_365, %gather3A : vector<16xf32>
          %parallel_loop3A_367 = arith.index_cast %parallel_loop3A_363 : i32 to index
          %parallel_loop3A_368 = tpu.vector_load %arg7[%parallel_loop3A_367] {strides = array<i32>} : memref<4096xf32, #tpu.memory_space<vmem>>, vector<16xf32>,
          %parallel_loop3A_369 = arith.subf %parallel_loop3A_368, %gather3A_42 : vector<16xf32>
          %parallel_loop3A_370 = arith.index_cast %parallel_loop3A_363 : i32 to index
          %parallel_loop3A_371 = tpu.vector_load %arg8[%parallel_loop3A_370] {strides = array<i32>} : memref<4096xf32, #tpu.memory_space<vmem>>, vector<16xf32>,
          %parallel_loop3A_372 = arith.subf %parallel_loop3A_371, %gather3A_43 : vector<16xf32>
          %parallel_loop3A_373 = arith.mulf %parallel_loop3A_366, %parallel_loop3A_366 : vector<16xf32>
          %parallel_loop3A_374 = arith.mulf %parallel_loop3A_369, %parallel_loop3A_369 : vector<16xf32>
          %parallel_loop3A_375 = arith.addf %parallel_loop3A_373, %parallel_loop3A_374 : vector<16xf32>
          %parallel_loop3A_376 = arith.mulf %parallel_loop3A_372, %parallel_loop3A_372 : vector<16xf32>
          %parallel_loop3A_377 = arith.addf %parallel_loop3A_375, %parallel_loop3A_376 : vector<16xf32>
          %parallel_loop3A_378 = arith.index_cast %parallel_loop3A_363 : i32 to index
          %parallel_loop3A_379 = tpu.vector_load %arg9[%parallel_loop3A_378] {strides = array<i32>} : memref<4096xf32, #tpu.memory_space<vmem>>, vector<16xf32>,
          %parallel_loop3A_380 = arith.minimumf %parallel_loop3A_379, %parallel_loop3A_377 : vector<16xf32>
          %parallel_loop3A_381 = arith.index_cast %parallel_loop3A_363 : i32 to index
          %parallel_loop3A_382 = tpu.vector_load %arg9[%parallel_loop3A_381] {strides = array<i32>} : memref<4096xf32, #tpu.memory_space<vmem>>, vector<16xf32>,
          tpu.vector_store %arg9[%parallel_loop3A_381], %parallel_loop3A_380 {strides = array<i32>} : memref<4096xf32, #tpu.memory_space<vmem>>, vector<16xf32>,
          %parallel_loop3A_383 = arith.cmpf ogt, %parallel_loop3A_380, %parallel_loop3A_146 : vector<16xf32>
          %parallel_loop3A_384 = arith.select %parallel_loop3A_383, %parallel_loop3A_380, %parallel_loop3A_146 : vector<16xi1>, vector<16xf32>
          %parallel_loop3A_385 = vector.broadcast %parallel_loop3A_361 : i32 to vector<16xi32>
          %parallel_loop3A_386 = arith.select %parallel_loop3A_383, %parallel_loop3A_385, %parallel_loop3A_154 : vector<16xi1>, vector<16xi32>
          scf.yield %parallel_loop3A_181, %parallel_loop3A_210, %parallel_loop3A_239, %parallel_loop3A_268, %parallel_loop3A_297, %parallel_loop3A_326, %parallel_loop3A_355, %parallel_loop3A_384, %parallel_loop3A_183, %parallel_loop3A_212, %parallel_loop3A_241, %parallel_loop3A_270, %parallel_loop3A_299, %parallel_loop3A_328, %parallel_loop3A_357, %parallel_loop3A_386 : vector<16xf32>, vector<16xf32>, vector<16xf32>, vector<16xf32>, vector<16xf32>, vector<16xf32>, vector<16xf32>, vector<16xf32>, vector<16xi32>, vector<16xi32>, vector<16xi32>, vector<16xi32>, vector<16xi32>, vector<16xi32>, vector<16xi32>, vector<16xi32>
        } {sc.loop_unroll_factor = 1 : i64, sc.parallel_access}
        %max3A = arith.maximumf %parallel_loop3A_50#0, %parallel_loop3A_50#1 : vector<16xf32>
        %max3A_51 = arith.maximumf %max3A, %parallel_loop3A_50#2 : vector<16xf32>
        %max3A_52 = arith.maximumf %max3A_51, %parallel_loop3A_50#3 : vector<16xf32>
        %max3A_53 = arith.maximumf %max3A_52, %parallel_loop3A_50#4 : vector<16xf32>
        %max3A_54 = arith.maximumf %max3A_53, %parallel_loop3A_50#5 : vector<16xf32>
        %max3A_55 = arith.maximumf %max3A_54, %parallel_loop3A_50#6 : vector<16xf32>
        %max3A_56 = arith.maximumf %max3A_55, %parallel_loop3A_50#7 : vector<16xf32>
        %reduce_max3A = arith.constant true
        %reduce_max3A_57 = vector.broadcast %reduce_max3A : i1 to vector<16xi1>
        %reduce_max3A_58 = tpu.scan <max>, %max3A_56 masked %reduce_max3A_57 : vector<16xf32>, vector<16xi1> -> vector<16xf32>
        %reduce_max3A_59 = vector.extract %reduce_max3A_58[15] : f32 from vector<16xf32>
        %broadcast_in_dim3A_60 = arith.constant 1073741824 : i32
        %broadcast_in_dim3A_61 = vector.broadcast %broadcast_in_dim3A_60 : i32 to vector<16xi32>
        %mul3A_62 = arith.constant 16 : i32
        %mul3A_63 = vector.broadcast %mul3A_62 : i32 to vector<16xi32>
        %mul3A_64 = arith.muli %parallel_loop3A_50#8, %mul3A_63 : vector<16xi32>
        %add3A = arith.addi %mul3A_64, %iota3A : vector<16xi32>
        %eq3A_65 = vector.broadcast %reduce_max3A_59 : f32 to vector<16xf32>
        %eq3A_66 = arith.cmpf oeq, %parallel_loop3A_50#0, %eq3A_65 : vector<16xf32>
        %select_n3A = arith.select %eq3A_66, %add3A, %broadcast_in_dim3A_61 : vector<16xi1>, vector<16xi32>
        %min3A = arith.minsi %broadcast_in_dim3A_61, %select_n3A : vector<16xi32>
        %mul3A_67 = arith.constant 16 : i32
        %mul3A_68 = vector.broadcast %mul3A_67 : i32 to vector<16xi32>
        %mul3A_69 = arith.muli %parallel_loop3A_50#9, %mul3A_68 : vector<16xi32>
        %add3A_70 = arith.addi %mul3A_69, %iota3A : vector<16xi32>
        %eq3A_71 = vector.broadcast %reduce_max3A_59 : f32 to vector<16xf32>
        %eq3A_72 = arith.cmpf oeq, %parallel_loop3A_50#1, %eq3A_71 : vector<16xf32>
        %select_n3A_73 = arith.select %eq3A_72, %add3A_70, %broadcast_in_dim3A_61 : vector<16xi1>, vector<16xi32>
        %min3A_74 = arith.minsi %min3A, %select_n3A_73 : vector<16xi32>
        %mul3A_75 = arith.constant 16 : i32
        %mul3A_76 = vector.broadcast %mul3A_75 : i32 to vector<16xi32>
        %mul3A_77 = arith.muli %parallel_loop3A_50#10, %mul3A_76 : vector<16xi32>
        %add3A_78 = arith.addi %mul3A_77, %iota3A : vector<16xi32>
        %eq3A_79 = vector.broadcast %reduce_max3A_59 : f32 to vector<16xf32>
        %eq3A_80 = arith.cmpf oeq, %parallel_loop3A_50#2, %eq3A_79 : vector<16xf32>
        %select_n3A_81 = arith.select %eq3A_80, %add3A_78, %broadcast_in_dim3A_61 : vector<16xi1>, vector<16xi32>
        %min3A_82 = arith.minsi %min3A_74, %select_n3A_81 : vector<16xi32>
        %mul3A_83 = arith.constant 16 : i32
        %mul3A_84 = vector.broadcast %mul3A_83 : i32 to vector<16xi32>
        %mul3A_85 = arith.muli %parallel_loop3A_50#11, %mul3A_84 : vector<16xi32>
        %add3A_86 = arith.addi %mul3A_85, %iota3A : vector<16xi32>
        %eq3A_87 = vector.broadcast %reduce_max3A_59 : f32 to vector<16xf32>
        %eq3A_88 = arith.cmpf oeq, %parallel_loop3A_50#3, %eq3A_87 : vector<16xf32>
        %select_n3A_89 = arith.select %eq3A_88, %add3A_86, %broadcast_in_dim3A_61 : vector<16xi1>, vector<16xi32>
        %min3A_90 = arith.minsi %min3A_82, %select_n3A_89 : vector<16xi32>
        %mul3A_91 = arith.constant 16 : i32
        %mul3A_92 = vector.broadcast %mul3A_91 : i32 to vector<16xi32>
        %mul3A_93 = arith.muli %parallel_loop3A_50#12, %mul3A_92 : vector<16xi32>
        %add3A_94 = arith.addi %mul3A_93, %iota3A : vector<16xi32>
        %eq3A_95 = vector.broadcast %reduce_max3A_59 : f32 to vector<16xf32>
        %eq3A_96 = arith.cmpf oeq, %parallel_loop3A_50#4, %eq3A_95 : vector<16xf32>
        %select_n3A_97 = arith.select %eq3A_96, %add3A_94, %broadcast_in_dim3A_61 : vector<16xi1>, vector<16xi32>
        %min3A_98 = arith.minsi %min3A_90, %select_n3A_97 : vector<16xi32>
        %mul3A_99 = arith.constant 16 : i32
        %mul3A_100 = vector.broadcast %mul3A_99 : i32 to vector<16xi32>
        %mul3A_101 = arith.muli %parallel_loop3A_50#13, %mul3A_100 : vector<16xi32>
        %add3A_102 = arith.addi %mul3A_101, %iota3A : vector<16xi32>
        %eq3A_103 = vector.broadcast %reduce_max3A_59 : f32 to vector<16xf32>
        %eq3A_104 = arith.cmpf oeq, %parallel_loop3A_50#5, %eq3A_103 : vector<16xf32>
        %select_n3A_105 = arith.select %eq3A_104, %add3A_102, %broadcast_in_dim3A_61 : vector<16xi1>, vector<16xi32>
        %min3A_106 = arith.minsi %min3A_98, %select_n3A_105 : vector<16xi32>
        %mul3A_107 = arith.constant 16 : i32
        %mul3A_108 = vector.broadcast %mul3A_107 : i32 to vector<16xi32>
        %mul3A_109 = arith.muli %parallel_loop3A_50#14, %mul3A_108 : vector<16xi32>
        %add3A_110 = arith.addi %mul3A_109, %iota3A : vector<16xi32>
        %eq3A_111 = vector.broadcast %reduce_max3A_59 : f32 to vector<16xf32>
        %eq3A_112 = arith.cmpf oeq, %parallel_loop3A_50#6, %eq3A_111 : vector<16xf32>
        %select_n3A_113 = arith.select %eq3A_112, %add3A_110, %broadcast_in_dim3A_61 : vector<16xi1>, vector<16xi32>
        %min3A_114 = arith.minsi %min3A_106, %select_n3A_113 : vector<16xi32>
        %mul3A_115 = arith.constant 16 : i32
        %mul3A_116 = vector.broadcast %mul3A_115 : i32 to vector<16xi32>
        %mul3A_117 = arith.muli %parallel_loop3A_50#15, %mul3A_116 : vector<16xi32>
        %add3A_118 = arith.addi %mul3A_117, %iota3A : vector<16xi32>
        %eq3A_119 = vector.broadcast %reduce_max3A_59 : f32 to vector<16xf32>
        %eq3A_120 = arith.cmpf oeq, %parallel_loop3A_50#7, %eq3A_119 : vector<16xf32>
        %select_n3A_121 = arith.select %eq3A_120, %add3A_118, %broadcast_in_dim3A_61 : vector<16xi1>, vector<16xi32>
        %min3A_122 = arith.minsi %min3A_114, %select_n3A_121 : vector<16xi32>
        %reduce_min3A = arith.constant true
        %reduce_min3A_123 = vector.broadcast %reduce_min3A : i1 to vector<16xi1>
        %reduce_min3A_124 = arith.constant -2147483648 : i32
        %reduce_min3A_125 = vector.broadcast %reduce_min3A_124 : i32 to vector<16xi32>
        %reduce_min3A_126 = arith.xori %min3A_122, %reduce_min3A_125 : vector<16xi32>
        %reduce_min3A_127 = tpu.scan <min>, %reduce_min3A_126 masked %reduce_min3A_123 : vector<16xi32>, vector<16xi1> -> vector<16xi32>
        %reduce_min3A_128 = arith.xori %reduce_min3A_127, %reduce_min3A_125 : vector<16xi32>
        %reduce_min3A_129 = vector.extract %reduce_min3A_128[15] : i32 from vector<16xi32>
        %broadcast_in_dim3A_130 = vector.broadcast %while3A_39 : i32 to vector<16xi32>
        %mul3A_131 = arith.constant 4096 : i32
        %mul3A_132 = arith.muli %arg1, %mul3A_131 : i32
        %add3A_133 = arith.addi %mul3A_132, %reduce_min3A_129 : i32
        %broadcast_in_dim3A_134 = vector.broadcast %add3A_133 : i32 to vector<16xi32>
        %eq3A_135 = arith.constant 0 : i32
        %eq3A_136 = vector.broadcast %eq3A_135 : i32 to vector<16xi32>
        %eq3A_137 = arith.cmpi eq, %iota3A, %eq3A_136 : vector<16xi32>
        tpu.vector_store_idx %arg10[%broadcast_in_dim3A_130], %broadcast_in_dim3A_134 masked %eq3A_137 : memref<1024xi32, #tpu.memory_space<vmem>>[vector<16xi32>], vector<16xi32>, vector<16xi1>
        scf.yield %reduce_min3A_129 : i32
      }
      "tpu.region"() ({
        %run_scoped3A = tpu.sem_alloc : memref<!tpu.dma_semaphore, #tpu.memory_space<semaphore_mem>>
        %dma_start3A = arith.constant 0 : i32
        %dma_start3A_39 = tpu.memref_slice %arg5[%arg1, %dma_start3A] : memref<16x1024xi32, #tpu.memory_space<hbm>> -> memref<1x1024xi32, #tpu.memory_space<hbm>>
        %dma_start3A_40 = tpu.memref_squeeze %dma_start3A_39 : memref<1x1024xi32, #tpu.memory_space<hbm>> -> memref<1024xi32, #tpu.memory_space<hbm>>
        %dma_start3A_41 = arith.constant 0 : i32
        %dma_start3A_42 = tpu.memref_slice %arg5[%arg1, %dma_start3A_41] : memref<16x1024xi32, #tpu.memory_space<hbm>> -> memref<1x1024xi32, #tpu.memory_space<hbm>>
        %dma_start3A_43 = tpu.memref_squeeze %dma_start3A_42 : memref<1x1024xi32, #tpu.memory_space<hbm>> -> memref<1024xi32, #tpu.memory_space<hbm>>
        tpu.enqueue_dma source(%arg10 : memref<1024xi32, #tpu.memory_space<vmem>>) target(%dma_start3A_43 : memref<1024xi32, #tpu.memory_space<hbm>>) target_semaphore(%run_scoped3A : memref<!tpu.dma_semaphore, #tpu.memory_space<semaphore_mem>>)
        %dma_wait3A = arith.constant 0 : i32
        %dma_wait3A_44 = tpu.memref_slice %arg5[%arg1, %dma_wait3A] : memref<16x1024xi32, #tpu.memory_space<hbm>> -> memref<1x1024xi32, #tpu.memory_space<hbm>>
        %dma_wait3A_45 = tpu.memref_squeeze %dma_wait3A_44 : memref<1x1024xi32, #tpu.memory_space<hbm>> -> memref<1024xi32, #tpu.memory_space<hbm>>
        %dma_wait3A_46 = arith.constant 0 : i32
        %dma_wait3A_47 = tpu.memref_slice %arg5[%arg1, %dma_wait3A_46] : memref<16x1024xi32, #tpu.memory_space<hbm>> -> memref<1x1024xi32, #tpu.memory_space<hbm>>
        %dma_wait3A_48 = tpu.memref_squeeze %dma_wait3A_47 : memref<1x1024xi32, #tpu.memory_space<hbm>> -> memref<1024xi32, #tpu.memory_space<hbm>>
        tpu.wait_dma2 semaphore(%run_scoped3A : memref<!tpu.dma_semaphore, #tpu.memory_space<semaphore_mem>>) src(%arg10 : memref<1024xi32, #tpu.memory_space<vmem>>) dst(%dma_wait3A_48 : memref<1024xi32, #tpu.memory_space<hbm>>)
        tpu.yield
      }) : () -> ()
    } else {
    }
    return
  }
}

</mosaic_0001>

<sc_bundles>
// kernel: kernel.3.cloned.1.call-start
scs
__scs_entry_jumppad:
0x0: {  	(pc) =	sbr.rel $0x88, $3  }
0x1: {  	(tag) =	ssettag $0x0;
	lr =	simm.s32 $0x1  }
0x2: {  	[smem:$0x3FA0] =	sst lr;
	_ =	strace $0xD0000000  }
0x3: {  	_ = 	snop  }
0x4: {  	_ = 	snop  }
0x5: {  	_ = 	snop  }
0x6: {  	_ = 	snop  }
0x7: {  	_ = 	snop  }
__scs_overlays_trampoline_lowered:
0x8: {  	[smem:$0x3FAF] =	sst s0  }
0x9: {  	[smem:$0x3FB0] =	sst s1  }
0xa: {  	[smem:$0x3FB1] =	sst s2  }
0xb: {  	[smem:$0x3FB2] =	sst s3  }
0xc: {  	[smem:$0x3FB3] =	sst s4  }
0xd: {  	[smem:$0x3FB4] =	sst s5  }
0xe: {  	[smem:$0x3FB5] =	sst s6  }
0xf: {  	[smem:$0x3FB6] =	sst s7  }
0x10: {  	[smem:$0x3FB7] =	sst s8  }
0x11: {  	[smem:$0x3FB8] =	sst s9;
	s0 =	simm.s32 @!p0 $0x0  }
0x12: {  	s1 =	sld [smem:$0x3F9E];
	s0 =	simm.s32 @p0 $0x1  }
0x13: {  	[smem:$0x3FB9] =	sst s0;
	s0 =	simm.s32 @!p1 $0x0  }
0x14: {  	s2 =	sld [smem:$0x3F9D];
	s0 =	simm.s32 @p1 $0x1  }
0x15: {  	[smem:$0x3FBA] =	sst s0;
	s0 =	simm.s32 @!p2 $0x0  }
0x16: {  	s3 =	sld [smem:$0x3FDB];
	s0 =	simm.s32 @p2 $0x1  }
0x17: {  	s4 =	simm.s32 $0x1BF5;
	[smem:$0x3FBC] =	sst s0  }
0x18: {  	s0 =	sld [smem:$0x3F9F];
	_ =	swait.ge [sflag:s4], $0x0  }
0x19: {  	s7 =	sld [smem:$0x3FA0]  }
0x1a: {  	s8 =	sadd.s32 $0xFFFFE003, lr  }
0x1b: {  	s9 =	sadd.s32 $0xFFFFFEF7, lr;
	s5 =	simm.s32 $0xFFFFFFFF;
	p2 =	slt.u32 s8, $0xFFFFF086  }
0x1c: {  	p1 =	slt.u32 s9, $0xF7A;
	s5 =	simm.s32 @!p2 $0x0  }
0x1d: {  	s5 =	simm.s32 @p1 $0x1;
	p0 =	seq.s32 s7, s2  }
0x1e: {  	s7 =	smul.u32 @!p0 $0xF7A, s2;
	p2 =	seq.s32 @!p0 s5, $0x0  }
0x1f: {  	s9 =	smul.u32 $0xF7A, s1;
	s8 =	simm.s32 @!p0 $0x1BF5;
	p2 =	por !p2, p0  }
0x20: {  	[sflag:s8] =	ssyncset.s32 @!p0 $0xFFFFF086;
	s6 =	sadd.s32 @!p0 s3, s7;
	s7 =	simm.s32 @!p0 $0x108  }
0x21: {  	s3 =	sadd.s32 s3, s9;
	s6 =	sadd.s32 @!p0 $0x88, s6;
	s7 =	simm.s32 @p2 $0x1082  }
0x22: {  	[simem:s7], [sflag:s8] =	dma.local @!p0 [hbm:s6], $0xF7A  }
0x23: {  	s9 =	sor.u32 $0xD0000000, s2;
	s6 =	simm.s32 $0x108;
	_ =	swait.ge @!p0 [sflag:s8], $0x0  }
0x24: {  	s3 =	sadd.s32 $0x88, s3;
	s6 =	simm.s32 @!p1 $0x1082;
	[sflag:s4] =	ssyncset.s32 $0xFFFFF086  }
0x25: {  	[simem:s6], [sflag:s4] =	dma.local [hbm:s3], $0xF7A  }
0x26: {  	[smem:$0x3FA0] =	sst s1;
	(tag) =	ssettag s2;
	_ =	strace s9  }
0x27: {  	s1 =	sld [smem:$0x3FB0]  }
0x28: {  	s2 =	sld [smem:$0x3FB1]  }
0x29: {  	s4 =	sld [smem:$0x3FB3]  }
0x2a: {  	p0 =	seq.s32 s5, $0x0;
	s5 =	sld [smem:$0x3FB4]  }
0x2b: {  	s6 =	sld [smem:$0x3FB5]  }
0x2c: {  	s7 =	sld [smem:$0x3FB6]  }
0x2d: {  	s3 =	simm.s32 $0x108;
	s8 =	sld [smem:$0x3FB7]  }
0x2e: {  	s3 =	simm.s32 @!p0 $0x1082;
	s9 =	sld [smem:$0x3FB8]  }
0x2f: {  	lr =	sadd.s32 s0, s3;
	s0 =	sld [smem:$0x3FAF]  }
0x30: {  	s3 =	sld [smem:$0x3FB2]  }
0x31: {  	[smem:$0x3FBB] =	sst s10  }
0x32: {  	s10 =	sld [smem:$0x3FB9];
	_ =	sdelay $0x3  }
0x33: {  	p0 =	seq.s32 s10, $0x1;
	s10 =	sld [smem:$0x3FBB];
	_ =	sdelay $0x3  }
0x34: {  	[smem:$0x3FBB] =	sst s10  }
0x35: {  	s10 =	sld [smem:$0x3FBA];
	_ =	sdelay $0x3  }
0x36: {  	p1 =	seq.s32 s10, $0x1;
	s10 =	sld [smem:$0x3FBB];
	_ =	sdelay $0x3  }
0x37: {  	[smem:$0x3FBB] =	sst s10  }
0x38: {  	s10 =	sld [smem:$0x3FBC]  }
0x39: {  	_ = 	snop;
	(pc) =	sbr.ind lr, $3  }
0x3a: {  	_ = 	snop  }
0x3b: {  	_ = 	snop  }
0x3c: {  	p2 =	seq.s32 s10, $0x1;
	s10 =	sld [smem:$0x3FBB]  }
0x3d: {  	_ =	shalt  }
0x3e: {  	_ =	shalt  }
0x3f: {  	_ =	shalt  }
0x40: {  	_ =	shalt  }
0x41: {  	_ =	shalt  }
0x42: {  	_ =	shalt  }
0x43: {  	_ =	shalt  }
0x44: {  	_ =	shalt  }
0x45: {  	_ =	shalt  }
0x46: {  	_ =	shalt  }
0x47: {  	_ =	shalt  }
0x48: {  	_ =	shalt  }
0x49: {  	_ =	shalt  }
0x4a: {  	_ =	shalt  }
0x4b: {  	_ =	shalt  }
0x4c: {  	_ =	shalt  }
0x4d: {  	_ =	shalt  }
0x4e: {  	_ =	shalt  }
0x4f: {  	_ =	shalt  }
0x50: {  	_ =	shalt  }
0x51: {  	_ =	shalt  }
0x52: {  	_ =	shalt  }
0x53: {  	_ =	shalt  }
0x54: {  	_ =	shalt  }
0x55: {  	_ =	shalt  }
0x56: {  	_ =	shalt  }
0x57: {  	_ =	shalt  }
0x58: {  	_ =	shalt  }
0x59: {  	_ =	shalt  }
0x5a: {  	_ =	shalt  }
0x5b: {  	_ =	shalt  }
0x5c: {  	_ =	shalt  }
0x5d: {  	_ =	shalt  }
0x5e: {  	_ =	shalt  }
0x5f: {  	_ =	shalt  }
0x60: {  	_ =	shalt  }
0x61: {  	_ =	shalt  }
0x62: {  	_ =	shalt  }
0x63: {  	_ =	shalt  }
0x64: {  	_ =	shalt  }
0x65: {  	_ =	shalt  }
0x66: {  	_ =	shalt  }
0x67: {  	_ =	shalt  }
0x68: {  	_ =	shalt  }
0x69: {  	_ =	shalt  }
0x6a: {  	_ =	shalt  }
0x6b: {  	_ =	shalt  }
0x6c: {  	_ =	shalt  }
0x6d: {  	_ =	shalt  }
0x6e: {  	_ =	shalt  }
0x6f: {  	_ =	shalt  }
0x70: {  	_ =	shalt  }
0x71: {  	_ =	shalt  }
0x72: {  	_ =	shalt  }
0x73: {  	_ =	shalt  }
0x74: {  	_ =	shalt  }
0x75: {  	_ =	shalt  }
0x76: {  	_ =	shalt  }
0x77: {  	_ =	shalt  }
0x78: {  	_ =	shalt  }
0x79: {  	_ =	shalt  }
0x7a: {  	_ =	shalt  }
0x7b: {  	_ =	shalt  }
0x7c: {  	_ =	shalt  }
0x7d: {  	_ =	shalt  }
0x7e: {  	_ =	shalt  }
0x7f: {  	_ =	shalt  }
0x80: {  	_ =	shalt  }
0x81: {  	_ =	shalt  }
0x82: {  	_ =	shalt  }
0x83: {  	_ =	shalt  }
0x84: {  	_ =	shalt  }
0x85: {  	_ =	shalt  }
0x86: {  	_ =	shalt  }
0x87: {  	_ =	shalt  }
.Lfunc_end0:
.L_simem_size_0:
called_computation_lowered:
.L_overlay_start_0:
0x88: {  	s2 =	sld [smem:$0x3FD9]  }
0x89: {  	s3 =	sld [smem:$0x3FFE];
	_ =	sdelay $0x1  }
0x8a: {  	s1 =	srdreg.scid  }
0x8b: {  	s0 =	sand.u32 $0x1, s1  }
0x8c: {  	s17 =	sshll.u32 s0, $0xA;
	s2 =	sadd.s32 s3, s2  }
0x8d: {  	s2 =	sadd.s32 s2, s17  }
0x8e: {  	[smem:$0x3FC7] =	sst s2  }
0x8f: {  	_ = 	snop  }
0x90: {  	s2 =	sld [smem:$0x3FD0];
	(tm) =	ssettm $0x1  }
0x91: {  	s18 =	sld [smem:$0x3FFB];
	_ =	sdelay $0x3  }
0x92: {  	_ =	strace s18  }
0x93: {  	s3 =	sld [smem:$0x3FFC];
	_ =	sdelay $0x3  }
0x94: {  	_ =	strace s3  }
0x95: {  	s3 =	sld [smem:$0x3FFD];
	_ =	sdelay $0x3  }
0x96: {  	_ =	strace s3  }
0x97: {  	_ =	strace $0x8FFFFFFF  }
0x98: {  	s19 =	sld [smem:$0x3FDB];
	_ =	sdelay $0x1  }
0x99: {  	s4 =	simm.s32 $_scs_section_size  }
0x9a: {  	s5 =	simm.s32 $_size__tile_overlayer_lowered;
	s6 =	simm.s32 $_tile_overlayer_lowered  }
0x9b: {  	s22 =	simm.s32 $0x1BFF;
	s21 =	sshll.u32 s6, $0x1;
	s3 =	sadd.s32 s4, s19  }
0x9c: {  	s7 =	simm.s32 $0x0;
	s20 =	sshll.u32 s5, $0x1;
	s5 =	sadd.s32 s21, s3  }
0x9d: {  	[timem:s7], [sflag:s22] =	dma.local [hbm:s5], s20  }
0x9e: {  	_ =	swait.ge [sflag:s22], s20  }
0x9f: {  	s4 =	ssub.s32 $0x0, s20;
	[sflag:s22] =	ssyncset.done $0x0  }
0xa0: {  	[sflag:s22] =	ssyncadd.s32 s4;
	_ =	sdelay $0x1  }
0xa1: {  	s23 =	simm.s32 $0x1B8B  }
0xa2: {  	_ =	swait.ge [sflag:s23], $0x1  }
0xa3: {  	[sflag:s23] =	ssyncset.done $0x0  }
0xa4: {  	s25 =	simm.s32 $0x1B8E;
	s24 =	sld [smem:$0x3FFE];
	[sflag:s23] =	ssyncadd.s32 $0xFFFFFFFF  }
0xa5: {  	s26 =	simm.s32 $execute0_lowered;
	[smem:$0x3FD2] =	sst s25  }
0xa6: {  	s5 =	sshll.u32 s26, $0x1;
	_ =	strace $0x80000046;
	[dreg:$0x1] =	wrdreg $0xFFFFFFFF  }
0xa7: {  	s28 =	simm.s32 $_size_execute0_lowered;
	s3 =	sadd.s32 s3, s5;
	[dreg:$0x0] =	wrdreg $0x0  }
0xa8: {  	s5 =	sshll.u32 s28, $0x1;
	[dreg:$0x2] =	wrdreg s3  }
0xa9: {  	[dreg:$0x3] =	wrdreg s5  }
0xaa: {  	[dreg:$0x4] =	wrdreg $0xC0  }
0xab: {  	_ =	task [dreg:s7], $0x5FFFF  }
0xac: {  	[dreg:$0x1] =	wrdreg $0xFFFFFFFF  }
0xad: {  	[dreg:$0x0] =	wrdreg $0x60  }
0xae: {  	[dreg:$0x2] =	wrdreg s24  }
0xaf: {  	[dreg:$0x3] =	wrdreg s2  }
0xb0: {  	[dreg:$0x4] =	wrdreg $0x9  }
0xb1: {  	_ =	task.clear_ibuf [dreg:s7], $0x5FFFF;
	_ =	strace $0x90000046  }
0xb2: {  	s29 =	simm.s32 $0x9;
	_ =	strace $0x80000048  }
0xb3: {  	_ =	swait.ge [sflag:s29], $0x1  }
0xb4: {  	[sflag:s29] =	ssyncadd.s32 $0xFFFFFFFF  }
0xb5: {  	_ =	strace $0x90000048  }
0xb6: {  	_ =	sfence  }
0xb7: {  	s30 =	sld [smem:$0x0];
	_ =	sdelay $0x2  }
0xb8: {  	s31 =	sshll.u32 s1, $0xD;
	s1 =	sshrl.u32 s1, $0x2  }
0xb9: {  	s3 =	sand.u32 $0x4000, s31;
	s1 =	sadd.s32 s1, s30  }
0xba: {  	s0 =	sor.u32 s3, s0;
	s1 =	sshll.u32 s1, $0x11  }
0xbb: {  	s0 =	sor.u32 s1, s0  }
0xbc: {  	s0 =	sadd.s32 $0x8F2B, s0  }
0xbd: {  	[sflag:s0] =	ssyncadd.remote.s32 $0x1  }
0xbe: {  	_ =	sfence.sel $0xFFFF  }
0xbf: {  	[dreg:$0x0] =	wrdreg $0xFFFFFFFF;
	(pc) =	sbr.abs _section_cstart, $3  }
0xc0: {  	[dreg:$0x1] =	wrdreg $0xFFFFFFFF  }
0xc1: {  	_ =	task.clear_ibuf [dreg:s7], $0x2FFFF;
	_ =	strace $0x9FFFFFFF  }
0xc2: {  	(tm) =	ssettm $0x7FFFFFFF  }
0xc3: {  	_ =	shalt  }
tec
execute0_lowered:
.L_overlay_start_1:
0x0: {  	(tag) =	ssettag $0x1  }
0x1: {  	s3 =	srdreg.scid  }
0x2: {  	s3 =	sand.u32 $0x1, s3  }
0x3: {  	p0 =	seq.s32 s3, $0x1  }
.Ltmp0:
0x4: {  	_ = 	snop;
	(pc) =	sbr.rel @p0 .LBB2_8-.Ltmp0, $4  }
0x5: {  	s2 =	rddreg [dreg:$0x0]  }
0x6: {  	s0 =	rddreg [dreg:$0x1];
	s1 =	simm.s32 $0x0  }
0x7: {  	[smem:$0x7FF] =	sst s1  }
0x8: {  	s4 =	rddreg [dreg:$0x2];
	s7 =	stileid.u32;
	_ =	strace $0x80000047  }
0x9: {  	s3 =	sadd.s32 $0x4800, s2;
	s4 =	sshll.u32 s7, $0x9  }
0xa: {  	s5 =	simm.s32 $0x1;
	s3 =	sadd.s32 s3, s4  }
0xb: {  	[tilespmem:s1], [sflag:$0x1] =	stream.linear.gather [hbm4b:s3+s1], $0x1000, $0x38;
	[tilespmem:$0x4400] =	vst v63  }
0xc: {  	_ =	swait.ge [sflag:s5], $0x1000  }
0xd: {  	s25 =	sadd.s32 $0x2800, s2;
	s6 =	simm.s32 $0x1000;
	[sflag:s5] =	ssyncset.done $0x0  }
0xe: {  	s26 =	sadd.s32 $0x800, s2;
	s3 =	sadd.s32 s25, s4;
	[sflag:s5] =	ssyncadd.s32 $0xFFFFF000  }
0xf: {  	[tilespmem:s6], [sflag:$0x1] =	stream.linear.gather [hbm4b:s3+s1], $0x1000, $0x38;
	[tilespmem:$0x4400] =	vst v63  }
0x10: {  	s28 =	sshll.u32 s7, $0x4;
	s29 =	sshll.u32 s7, $0x7;
	_ =	swait.ge [sflag:s5], $0x1000  }
0x11: {  	s30 =	simm.s32 $0x2000;
	s2 =	sadd.s32 s26, s4;
	[sflag:s5] =	ssyncset.done $0x0  }
0x12: {  	s31 =	sand.u32 $0x400, s29;
	s3 =	sand.u32 $0x70, s28;
	[sflag:s5] =	ssyncadd.s32 $0xFFFFF000  }
0x13: {  	[tilespmem:s30], [sflag:$0x1] =	stream.linear.gather [hbm4b:s2+s1], $0x1000, $0x38;
	[tilespmem:$0x4400] =	vst v63  }
0x14: {  	s0 =	sadd.s32 s0, s3;
	s3 =	sshll.u32 s7, $0xC;
	_ =	swait.ge [sflag:s5], $0x1000  }
0x15: {  	s0 =	sadd.s32 s31, s0;
	s1 =	simm.s32 $0x200;
	[sflag:s5] =	ssyncset.done $0x0  }
0x16: {  	v2 =	vimm.f32 $+Inf;
	v1 =	vmov s3;
	[dreg:$0x3] =	wrdreg s0;
	s0 =	simm.s32 $0x0;
	[sflag:s5] =	ssyncadd.s32 $0xFFFFF000  }
.LBB2_2:
0x17: {  	p0 =	sne.s32 s1, $0x3E00;
	[tilespmem:s0+$0x3070] =	vst v2  }
0x18: {  	[tilespmem:s0+$0x3000] =	vst v2  }
0x19: {  	[tilespmem:s0+$0x3010] =	vst v2  }
.Ltmp1:
0x1a: {  	[tilespmem:s0+$0x3020] =	vst v2;
	(pc) =	sbr.rel @p0 .LBB2_2-.Ltmp1, $4  }
0x1b: {  	[tilespmem:s0+$0x3030] =	vst v2  }
0x1c: {  	[tilespmem:s0+$0x3040] =	vst v2  }
0x1d: {  	[tilespmem:s0+$0x3050] =	vst v2  }
0x1e: {  	[tilespmem:s0+$0x3060] =	vst v2;
	s0 =	sshra.s32 s1, $0x2;
	s1 =	sadd.s32 $0x200, s1  }
0x1f: {  	[tilespmem:s0+$0x3070] =	vst v2  }
0x20: {  	[tilespmem:s0+$0x3000] =	vst v2  }
0x21: {  	[tilespmem:s0+$0x3010] =	vst v2  }
0x22: {  	[tilespmem:s0+$0x3020] =	vst v2;
	v0 =	vimm.s32 $0x0  }
0x23: {  	[tilespmem:s0+$0x3030] =	vst v2  }
0x24: {  	[tilespmem:s0+$0x3040] =	vst v2  }
0x25: {  	[tilespmem:s0+$0x3050] =	vst v2  }
0x26: {  	[tilespmem:s0+$0x3060] =	vst v2;
	s4 =	simm.s32 $0x4000;
	s5 =	simm.s32 $0x1  }
0x27: {  	s7 =	simm.s32 $0x1000;
	s8 =	simm.s32 $0x2000;
	s0 =	simm.s32 $0x0;
	[tilespmem:v0+s4+$0x0] =	vst.idx.msk $0x1, v1;
	v1 =	vlaneseq.u32  }
.LBB2_4:
0x28: {  	v3 =	vmov s0;
	_ =	sdelay $0x1  }
0x29: {  	s18 =	simm.s32 $0x1040  }
0x2a: {  	s16 =	simm.s32 $0x40;
	v5 =	vld [tilespmem:s18+$0xFFFFFFC0]  }
0x2b: {  	s21 =	simm.s32 $0x0;
	v6 =	vld [tilespmem:s16+$0xFFFFFFC0]  }
0x2c: {  	v2 =	vld.idx.msk [tilespmem:v3+s21+$0x0], $0xffff  }
0x2d: {  	s15 =	simm.s32 $0x2040;
	v4 =	vld.idx.msk [tilespmem:v3+s7+$0x0], $0xffff  }
0x2e: {  	v7 =	vld [tilespmem:s15+$0xFFFFFFC0]  }
0x2f: {  	v3 =	vld.idx.msk [tilespmem:v3+s8+$0x0], $0xffff;
	_ =	sdelay $0x2  }
0x30: {  	v5 =	vsub.f32 v5, v4;
	v6 =	vsub.f32 v6, v2;
	_ =	sdelay $0x1  }
0x31: {  	s9 =	simm.s32 $0x3040;
	v7 =	vsub.f32 v7, v3;
	v6 =	vmul.f32 v6, v6;
	v5 =	vmul.f32 v5, v5  }
0x32: {  	v8 =	vld [tilespmem:s9+$0xFFFFFFC0]  }
0x33: {  	v7 =	vmul.f32 v7, v7;
	v5 =	vadd.f32 v5, v6;
	_ =	sdelay $0x1  }
0x34: {  	v5 =	vadd.f32 v7, v5;
	_ =	sdelay $0x1  }
0x35: {  	v5 =	vmin.f32 v8, v5  }
0x36: {  	[tilespmem:s9+$0xFFFFFFC0] =	vst v5  }
0x37: {  	v6 =	vld [tilespmem:s16+$0xFFFFFFD0]  }
0x38: {  	v7 =	vld [tilespmem:s18+$0xFFFFFFD0];
	_ =	sdelay $0x1  }
0x39: {  	v8 =	vld [tilespmem:s15+$0xFFFFFFD0];
	_ =	sdelay $0x2  }
0x3a: {  	v6 =	vsub.f32 v6, v2;
	v7 =	vsub.f32 v7, v4;
	_ =	sdelay $0x1  }
0x3b: {  	v8 =	vsub.f32 v8, v3;
	v6 =	vmul.f32 v6, v6;
	v7 =	vmul.f32 v7, v7  }
0x3c: {  	v9 =	vld [tilespmem:s9+$0xFFFFFFD0]  }
0x3d: {  	s14 =	simm.s32 $0x10C0;
	v6 =	vadd.f32 v7, v6;
	v7 =	vmul.f32 v8, v8  }
0x3e: {  	s13 =	simm.s32 $0xC0;
	v8 =	vld [tilespmem:s14+$0xFFFFFFC0]  }
0x3f: {  	v6 =	vadd.f32 v7, v6;
	v7 =	vld [tilespmem:s13+$0xFFFFFFC0]  }
0x40: {  	s12 =	simm.s32 $0x20C0  }
0x41: {  	v10 =	vld [tilespmem:s12+$0xFFFFFFC0];
	v6 =	vmin.f32 v9, v6  }
0x42: {  	[tilespmem:s9+$0xFFFFFFD0] =	vst v6  }
0x43: {  	v9 =	vld [tilespmem:s16+$0xFFFFFFE0]  }
0x44: {  	v8 =	vsub.f32 v8, v4;
	v11 =	vld [tilespmem:s18+$0xFFFFFFE0];
	v7 =	vsub.f32 v7, v2;
	_ =	sdelay $0x1  }
0x45: {  	s10 =	simm.s32 $0x30C0;
	v10 =	vsub.f32 v10, v3;
	v12 =	vld [tilespmem:s15+$0xFFFFFFE0];
	v8 =	vmul.f32 v8, v8;
	v7 =	vmul.f32 v7, v7  }
0x46: {  	v13 =	vld [tilespmem:s10+$0xFFFFFFC0]  }
0x47: {  	v10 =	vmul.f32 v10, v10;
	v7 =	vadd.f32 v8, v7  }
0x48: {  	v8 =	vsub.f32 v9, v2;
	v9 =	vsub.f32 v11, v4  }
0x49: {  	v7 =	vadd.f32 v10, v7  }
0x4a: {  	v8 =	vmul.f32 v8, v8;
	v10 =	vsub.f32 v12, v3;
	v9 =	vmul.f32 v9, v9  }
0x4b: {  	v11 =	vld [tilespmem:s9+$0xFFFFFFE0];
	v12 =	vmin.f32 v13, v7  }
0x4c: {  	v7 =	vadd.f32 v9, v8;
	v8 =	vmul.f32 v10, v10;
	[tilespmem:s10+$0xFFFFFFC0] =	vst v12  }
0x4d: {  	v9 =	vld [tilespmem:s13+$0xFFFFFFD0]  }
0x4e: {  	v7 =	vadd.f32 v8, v7;
	v8 =	vld [tilespmem:s14+$0xFFFFFFD0];
	_ =	sdelay $0x1  }
0x4f: {  	v10 =	vld [tilespmem:s12+$0xFFFFFFD0];
	v11 =	vmin.f32 v11, v7  }
0x50: {  	[tilespmem:s9+$0xFFFFFFE0] =	vst v11  }
0x51: {  	v7 =	vld [tilespmem:s16+$0xFFFFFFF0]  }
0x52: {  	v13 =	vld [tilespmem:s18+$0xFFFFFFF0];
	v9 =	vsub.f32 v9, v2;
	v8 =	vsub.f32 v8, v4;
	_ =	sdelay $0x1  }
0x53: {  	v14 =	vld [tilespmem:s15+$0xFFFFFFF0];
	v10 =	vsub.f32 v10, v3;
	v9 =	vmul.f32 v9, v9;
	v8 =	vmul.f32 v8, v8  }
0x54: {  	v15 =	vld [tilespmem:s10+$0xFFFFFFD0]  }
0x55: {  	v8 =	vadd.f32 v8, v9;
	v9 =	vmul.f32 v10, v10  }
0x56: {  	s20 =	simm.s32 $0x1140;
	v7 =	vsub.f32 v7, v2;
	v10 =	vsub.f32 v13, v4  }
0x57: {  	v16 =	vld [tilespmem:s20+$0xFFFFFFC0];
	v8 =	vadd.f32 v9, v8  }
0x58: {  	s17 =	simm.s32 $0x2140;
	v13 =	vld [tilespmem:s9+$0xFFFFFFF0];
	v7 =	vmul.f32 v7, v7;
	v9 =	vmul.f32 v10, v10;
	v10 =	vsub.f32 v14, v3  }
0x59: {  	s19 =	simm.s32 $0x140;
	v14 =	vld [tilespmem:s17+$0xFFFFFFC0];
	v8 =	vmin.f32 v15, v8  }
0x5a: {  	v7 =	vadd.f32 v9, v7;
	v9 =	vmul.f32 v10, v10;
	v10 =	vld [tilespmem:s19+$0xFFFFFFC0];
	[tilespmem:s10+$0xFFFFFFD0] =	vst v8  }
0x5b: {  	v15 =	vld [tilespmem:s13+$0xFFFFFFE0]  }
0x5c: {  	v7 =	vadd.f32 v9, v7;
	v9 =	vld [tilespmem:s14+$0xFFFFFFE0];
	_ =	sdelay $0x1  }
0x5d: {  	v13 =	vmin.f32 v13, v7;
	v7 =	vld [tilespmem:s12+$0xFFFFFFE0]  }
0x5e: {  	s11 =	simm.s32 $0x3140;
	v16 =	vsub.f32 v16, v4;
	v10 =	vsub.f32 v10, v2  }
0x5f: {  	v19 =	vld [tilespmem:s11+$0xFFFFFFC0];
	v14 =	vsub.f32 v14, v3;
	[tilespmem:s9+$0xFFFFFFF0] =	vst v13;
	v15 =	vsub.f32 v15, v2  }
0x60: {  	v16 =	vmul.f32 v16, v16;
	v17 =	vld [tilespmem:s18+$0x0];
	v10 =	vmul.f32 v10, v10;
	v9 =	vsub.f32 v9, v4  }
0x61: {  	v14 =	vmul.f32 v14, v14;
	v18 =	vld [tilespmem:s16+$0x0];
	v15 =	vmul.f32 v15, v15  }
0x62: {  	v20 =	vld [tilespmem:s15+$0x0];
	v10 =	vadd.f32 v16, v10;
	v7 =	vsub.f32 v7, v3;
	v9 =	vmul.f32 v9, v9  }
0x63: {  	v16 =	vld [tilespmem:s10+$0xFFFFFFE0]  }
0x64: {  	v10 =	vadd.f32 v14, v10;
	v9 =	vadd.f32 v9, v15;
	v7 =	vmul.f32 v7, v7  }
0x65: {  	v14 =	vsub.f32 v17, v4  }
0x66: {  	v15 =	vsub.f32 v18, v2;
	v10 =	vmin.f32 v19, v10;
	v7 =	vadd.f32 v7, v9  }
0x67: {  	v9 =	vmul.f32 v14, v14;
	v14 =	vld [tilespmem:s9+$0x0];
	[tilespmem:s11+$0xFFFFFFC0] =	vst v10  }
0x68: {  	v17 =	vsub.f32 v20, v3;
	v15 =	vmul.f32 v15, v15;
	v18 =	vld [tilespmem:s19+$0xFFFFFFD0];
	v16 =	vmin.f32 v16, v7  }
0x69: {  	v19 =	vld [tilespmem:s20+$0xFFFFFFD0];
	[tilespmem:s10+$0xFFFFFFE0] =	vst v16  }
0x6a: {  	v7 =	vimm.f32 $-1.000000000e+00;
	v9 =	vadd.f32 v9, v15;
	v15 =	vmul.f32 v17, v17;
	v17 =	vld [tilespmem:s13+$0xFFFFFFF0]  }
0x6b: {  	vm0 =	vgt.f32 v5, v7;
	v20 =	vld [tilespmem:s14+$0xFFFFFFF0]  }
0x6c: {  	s22 =	simm.s32 $0x0;
	v21 =	vld [tilespmem:s17+$0xFFFFFFD0];
	vm1 =	vgt.f32 v6, v7;
	vm2 =	vgt.f32 v11, v7;
	v9 =	vadd.f32 v15, v9  }
0x6d: {  	s1 =	simm.s32 $0x1;
	v5 =	vsel vm0, v5, v7;
	v15 =	vsel vm0, s22, v0;
	v11 =	vsel vm2, v11, v7  }
0x6e: {  	v6 =	vsel vm1, v6, v7;
	v23 =	vsel vm1, s1, v0;
	v9 =	vmin.f32 v14, v9;
	v14 =	vld [tilespmem:s12+$0xFFFFFFF0]  }
0x6f: {  	vm0 =	vgt.f32 v12, v5;
	v18 =	vsub.f32 v18, v2;
	[tilespmem:s9+$0x0] =	vst v9;
	v19 =	vsub.f32 v19, v4  }
0x70: {  	v12 =	vsel vm0, v12, v5;
	v24 =	vld [tilespmem:s16+$0x10];
	v5 =	vsub.f32 v17, v2;
	v20 =	vsub.f32 v20, v4  }
0x71: {  	v21 =	vsub.f32 v21, v3;
	v17 =	vld [tilespmem:s18+$0x10];
	v18 =	vmul.f32 v18, v18;
	v19 =	vmul.f32 v19, v19  }
0x72: {  	v25 =	vld [tilespmem:s11+$0xFFFFFFD0];
	vm1 =	vgt.f32 v13, v7;
	v5 =	vmul.f32 v5, v5;
	v20 =	vmul.f32 v20, v20  }
0x73: {  	s23 =	simm.s32 $0x2;
	s24 =	simm.s32 $0x8;
	v26 =	vld [tilespmem:s15+$0x10];
	v18 =	vadd.f32 v19, v18;
	v19 =	vmul.f32 v21, v21;
	v14 =	vsub.f32 v14, v3  }
0x74: {  	v22 =	vsel vm2, s23, v0;
	v13 =	vsel vm1, v13, v7;
	v15 =	vsel vm0, s24, v15  }
0x75: {  	s25 =	simm.s32 $0x3;
	s21 =	simm.s32 $0x21C0;
	v21 =	vld [tilespmem:s10+$0xFFFFFFF0];
	v18 =	vadd.f32 v19, v18;
	v5 =	vadd.f32 v20, v5;
	v14 =	vmul.f32 v14, v14  }
0x76: {  	v28 =	vld [tilespmem:s21+$0xFFFFFFC0];
	s23 =	simm.s32 $0x11C0;
	v20 =	vsel vm1, s25, v0;
	v24 =	vsub.f32 v24, v2;
	v27 =	vsub.f32 v17, v4  }
0x77: {  	v29 =	vld [tilespmem:s23+$0xFFFFFFC0];
	s24 =	simm.s32 $0x1C0;
	vm1 =	vgt.f32 v9, v7;
	v17 =	vmin.f32 v25, v18;
	v5 =	vadd.f32 v14, v5  }
0x78: {  	v14 =	vsub.f32 v26, v3;
	v25 =	vld [tilespmem:s24+$0xFFFFFFC0];
	v24 =	vmul.f32 v24, v24;
	v18 =	vmul.f32 v27, v27  }
0x79: {  	vm2 =	vgt.f32 v16, v11;
	vm0 =	vgt.f32 v8, v6;
	v19 =	vld [tilespmem:s9+$0x10];
	v30 =	vsel vm1, v9, v7;
	[tilespmem:s11+$0xFFFFFFD0] =	vst v17  }
0x7a: {  	s2 =	simm.s32 $0x9;
	v9 =	vld [tilespmem:s19+$0xFFFFFFE0];
	v21 =	vmin.f32 v21, v5;
	v18 =	vadd.f32 v18, v24;
	v24 =	vmul.f32 v14, v14  }
0x7b: {  	v26 =	vld [tilespmem:s20+$0xFFFFFFE0];
	v14 =	vsel vm0, v8, v6;
	v6 =	vsel vm0, s2, v23;
	vm0 =	vgt.f32 v10, v12  }
0x7c: {  	s1 =	simm.s32 $0xA;
	v32 =	vsel vm2, v16, v11;
	[tilespmem:s10+$0xFFFFFFF0] =	vst v21;
	v23 =	vld [tilespmem:s17+$0xFFFFFFE0];
	v12 =	vsel vm0, v10, v12;
	v10 =	vsub.f32 v29, v4  }
0x7d: {  	s6 =	simm.s32 $0x10;
	v5 =	vsel vm2, s1, v22;
	v11 =	vld [tilespmem:s12+$0x0];
	v18 =	vadd.f32 v24, v18;
	v22 =	vsub.f32 v25, v2  }
0x7e: {  	v16 =	vld [tilespmem:s14+$0x0];
	v8 =	vsel vm0, s6, v15;
	v10 =	vmul.f32 v10, v10  }
0x7f: {  	s0 =	simm.s32 $0x31C0;
	v15 =	vld [tilespmem:s13+$0x0];
	v18 =	vmin.f32 v19, v18;
	v19 =	vsub.f32 v28, v3;
	v22 =	vmul.f32 v22, v22  }
0x80: {  	s26 =	simm.s32 $0x4;
	v24 =	vld [tilespmem:s0+$0xFFFFFFC0];
	v9 =	vsub.f32 v9, v2;
	v25 =	vsub.f32 v26, v4;
	[tilespmem:s9+$0x10] =	vst v18  }
0x81: {  	v31 =	vsel vm1, s26, v0;
	v26 =	vld [tilespmem:s16+$0x20];
	v19 =	vmul.f32 v19, v19;
	v10 =	vadd.f32 v10, v22  }
0x82: {  	v23 =	vsub.f32 v23, v3;
	v22 =	vld [tilespmem:s18+$0x20];
	v9 =	vmul.f32 v9, v9;
	v25 =	vmul.f32 v25, v25  }
0x83: {  	vm1 =	vgt.f32 v21, v13;
	v16 =	vsub.f32 v16, v4;
	v27 =	vld [tilespmem:s15+$0x20];
	v10 =	vadd.f32 v19, v10  }
0x84: {  	v15 =	vsub.f32 v15, v2;
	v19 =	vld [tilespmem:s11+$0xFFFFFFE0];
	v9 =	vadd.f32 v25, v9;
	v25 =	vmul.f32 v23, v23  }
0x85: {  	vm0 =	vgt.f32 v17, v14;
	v11 =	vsub.f32 v11, v3;
	v23 =	vmin.f32 v24, v10  }
0x86: {  	v16 =	vmul.f32 v16, v16;
	v10 =	vmul.f32 v15, v15;
	v9 =	vadd.f32 v25, v9;
	v25 =	vld [tilespmem:s10+$0x0];
	[tilespmem:s0+$0xFFFFFFC0] =	vst v23  }
0x87: {  	vm2 =	vgt.f32 v18, v7;
	v15 =	vsub.f32 v26, v2;
	v22 =	vsub.f32 v22, v4;
	v26 =	vld [tilespmem:s24+$0xFFFFFFD0]  }
0x88: {  	v11 =	vmul.f32 v11, v11;
	v27 =	vsub.f32 v27, v3;
	v10 =	vadd.f32 v16, v10;
	v28 =	vld [tilespmem:s21+$0xFFFFFFD0]  }
0x89: {  	v33 =	vld [tilespmem:s23+$0xFFFFFFD0];
	v15 =	vmul.f32 v15, v15;
	v19 =	vmin.f32 v19, v9;
	v22 =	vmul.f32 v22, v22  }
0x8a: {  	s22 =	simm.s32 $0x5;
	v18 =	vsel vm2, v18, v7;
	v24 =	vld [tilespmem:s9+$0x20];
	v16 =	vsel vm1, v21, v13;
	[tilespmem:s11+$0xFFFFFFE0] =	vst v19;
	v11 =	vadd.f32 v11, v10  }
0x8b: {  	s25 =	simm.s32 $0xB;
	v9 =	vsel vm2, s22, v0;
	v34 =	vld [tilespmem:s19+$0xFFFFFFF0];
	v13 =	vadd.f32 v22, v15;
	v15 =	vmul.f32 v27, v27  }
0x8c: {  	vm2 =	vgt.f32 v19, v32;
	v10 =	vsel vm1, s25, v20;
	v22 =	vld [tilespmem:s9+$0x30];
	v11 =	vmin.f32 v25, v11  }
0x8d: {  	v27 =	vld [tilespmem:s20+$0xFFFFFFF0];
	v21 =	vsub.f32 v26, v2;
	vm1 =	vgt.f32 v11, v30;
	v13 =	vadd.f32 v15, v13  }
0x8e: {  	s26 =	simm.s32 $0xC;
	v25 =	vld [tilespmem:s0+$0xFFFFFFD0];
	v26 =	vsub.f32 v28, v3;
	v33 =	vsub.f32 v33, v4;
	v15 =	vimm.s32 $0x0  }
0x8f: {  	s30 =	simm.s32 $0x7;
	s28 =	simm.s32 $0xF;
	s31 =	simm.s32 $0x11;
	[tilespmem:s10+$0x0] =	vst v11;
	v28 =	vld [tilespmem:s17+$0xFFFFFFF0];
	v20 =	vsel vm1, v11, v30;
	v11 =	vsel vm1, s26, v31;
	v31 =	vmul.f32 v21, v21  }
0x90: {  	s29 =	simm.s32 $0x19;
	s1 =	simm.s32 $0x27;
	s2 =	simm.s32 $0x12;
	v29 =	vld [tilespmem:s12+$0x10];
	v24 =	vmin.f32 v24, v13;
	v21 =	vsel vm2, v19, v32;
	v13 =	vimm.s32 $0x0  }
0x91: {  	s22 =	simm.s32 $0x31C0;
	s25 =	simm.s32 $0x1F;
	s26 =	simm.s32 $0x17;
	v30 =	vld [tilespmem:s14+$0x10];
	v19 =	vimm.f32 $-1.000000000e+00;
	v32 =	vsub.f32 v34, v2;
	vm1 =	vgt.f32 v24, v7;
	[tilespmem:s9+$0x20] =	vst v24  }
.LBB2_5:
0x92: {  	s6 =	sadd.s32 $0xFFFFFFFA, s1  }
0x93: {  	p0 =	sne.s32 s1, $0xFF;
	v14 =	vsel vm0, v17, v14;
	v5 =	vsel vm2, s2, v5;
	v17 =	vsub.f32 v27, v4;
	v27 =	vld [tilespmem:s13+$0x10];
	s2 =	smov.u32 s1;
	s1 =	sadd.s32 $0x8, s1  }
0x94: {  	v33 =	vmul.f32 v33, v33;
	v6 =	vsel vm0, s31, v6;
	s31 =	smov.u32 s29;
	v32 =	vmul.f32 v32, v32;
	v34 =	vld [tilespmem:s18+$0x30];
	s29 =	smov.u32 s6;
	s18 =	smov.u32 s14  }
0x95: {  	vm0 =	vgt.f32 v23, v12;
	s14 =	smov.u32 s20;
	s20 =	smov.u32 s23;
	v17 =	vmul.f32 v17, v17;
	v29 =	vsub.f32 v29, v3;
	v35 =	vld [tilespmem:s16+$0x30];
	s16 =	smov.u32 s13  }
0x96: {  	v26 =	vmul.f32 v26, v26;
	s6 =	sadd.s32 $0xFFFFFFF9, s25;
	v31 =	vadd.f32 v33, v31;
	s13 =	smov.u32 s19;
	s19 =	smov.u32 s24;
	v28 =	vsub.f32 v28, v3;
	v33 =	vld [tilespmem:s11+$0xFFFFFFF0]  }
0x97: {  	v12 =	vsel vm0, v23, v12;
	v8 =	vsel vm0, s6, v8;
	v23 =	vsub.f32 v30, v4;
	v30 =	vld [tilespmem:s15+$0x30];
	s15 =	smov.u32 s12;
	s12 =	smov.u32 s17;
	s17 =	smov.u32 s21  }
0x98: {  	v26 =	vadd.f32 v26, v31;
	s21 =	sadd.s32 $0x80, s21;
	v31 =	vadd.f32 v17, v32;
	v28 =	vmul.f32 v28, v28;
	v32 =	vld [tilespmem:s10+$0x10]  }
0x99: {  	s23 =	sadd.s32 $0x80, s23;
	v27 =	vsub.f32 v27, v2;
	v36 =	vld [tilespmem:s21+$0xFFFFFFC0];
	v23 =	vmul.f32 v23, v23;
	v34 =	vsub.f32 v34, v4  }
0x9a: {  	s24 =	sadd.s32 $0x80, s24;
	v17 =	vmin.f32 v25, v26;
	v37 =	vld [tilespmem:s23+$0xFFFFFFC0];
	v25 =	vadd.f32 v28, v31;
	v26 =	vsub.f32 v35, v2  }
0x9b: {  	vm0 =	vgt.f32 v17, v14;
	v27 =	vmul.f32 v27, v27;
	v28 =	vld [tilespmem:s24+$0xFFFFFFC0];
	[tilespmem:s0+$0xFFFFFFD0] =	vst v17;
	v31 =	vmul.f32 v34, v34  }
0x9c: {  	v34 =	vld [tilespmem:s19+$0xFFFFFFE0];
	v25 =	vmin.f32 v33, v25;
	v30 =	vsub.f32 v30, v3;
	v26 =	vmul.f32 v26, v26  }
0x9d: {  	v23 =	vadd.f32 v23, v27;
	v27 =	vmul.f32 v29, v29;
	v33 =	vld [tilespmem:s20+$0xFFFFFFE0];
	[tilespmem:s11+$0xFFFFFFF0] =	vst v25;
	vm3 =	vgt.f32 v25, v16  }
0x9e: {  	s6 =	sadd.s32 $0xFFFFFFFF, s30;
	v29 =	vsub.f32 v36, v3;
	v35 =	vld [tilespmem:s12+$0x0];
	v26 =	vadd.f32 v31, v26;
	v30 =	vmul.f32 v30, v30  }
0x9f: {  	v13 =	vsel vm1, s6, v13;
	v23 =	vadd.f32 v27, v23;
	v31 =	vsub.f32 v37, v4;
	v36 =	vld [tilespmem:s14+$0x0]  }
0xa0: {  	v7 =	vsel vm1, v24, v7;
	v27 =	vsub.f32 v28, v2;
	v28 =	vld [tilespmem:s17+$0xFFFFFFE0];
	v24 =	vadd.f32 v30, v26  }
0xa1: {  	s0 =	sadd.s32 $0x80, s0;
	v26 =	vmul.f32 v29, v29;
	v32 =	vmin.f32 v32, v23;
	v29 =	vsub.f32 v34, v2;
	v30 =	vld [tilespmem:s13+$0x0]  }
0xa2: {  	v23 =	vmul.f32 v27, v27;
	v27 =	vmul.f32 v31, v31;
	v31 =	vld [tilespmem:s0+$0xFFFFFFC0];
	[tilespmem:s10+$0x10] =	vst v32;
	v22 =	vmin.f32 v22, v24  }
0xa3: {  	v24 =	vsub.f32 v33, v4;
	v29 =	vmul.f32 v29, v29;
	v33 =	vld [tilespmem:s16+$0x20];
	[tilespmem:s9+$0x30] =	vst v22;
	vm1 =	vgt.f32 v22, v19;
	s9 =	smov.u32 s10;
	s10 =	smov.u32 s11;
	s11 =	smov.u32 s22  }
0xa4: {  	v23 =	vadd.f32 v27, v23;
	v27 =	vsub.f32 v36, v4;
	v34 =	vld [tilespmem:s18+$0x20];
	v15 =	vsel vm1, s30, v15;
	s30 =	smov.u32 s28;
	s28 =	smov.u32 s26;
	s26 =	smov.u32 s25  }
0xa5: {  	s22 =	smov.u32 s0;
	v24 =	vmul.f32 v24, v24;
	v19 =	vsel vm1, v22, v19;
	s25 =	smov.u32 s2;
	v28 =	vsub.f32 v28, v3;
	v36 =	vld [tilespmem:s15+$0x20]  }
0xa6: {  	v23 =	vadd.f32 v26, v23;
	v26 =	vld [tilespmem:s11+$0xFFFFFFE0];
	v30 =	vsub.f32 v30, v2;
	v27 =	vmul.f32 v27, v27  }
0xa7: {  	v24 =	vadd.f32 v24, v29;
	v29 =	vsub.f32 v35, v3;
	v28 =	vmul.f32 v28, v28;
	v22 =	vld [tilespmem:s9+$0x30]  }
0xa8: {  	v23 =	vmin.f32 v31, v23;
	v30 =	vmul.f32 v30, v30;
	v31 =	vsub.f32 v33, v2;
	v35 =	vld [tilespmem:s9+$0x20]  }
0xa9: {  	vm1 =	vgt.f32 v32, v18;
	[tilespmem:s0+$0xFFFFFFC0] =	vst v23;
	v24 =	vadd.f32 v28, v24;
	v28 =	vld [tilespmem:s10+$0x0];
	v33 =	vsub.f32 v34, v4  }
0xaa: {  	v29 =	vmul.f32 v29, v29;
	v34 =	vld [tilespmem:s24+$0xFFFFFFD0];
	v27 =	vadd.f32 v27, v30;
	v30 =	vmul.f32 v31, v31  }
0xab: {  	s2 =	sadd.s32 $0xFFFFFFFE, s30;
	v31 =	vld [tilespmem:s21+$0xFFFFFFD0];
	v37 =	vmin.f32 v26, v24;
	v24 =	vsub.f32 v36, v3;
	v26 =	vmul.f32 v33, v33  }
0xac: {  	v18 =	vsel vm1, v32, v18;
	v9 =	vsel vm1, s2, v9;
	v33 =	vld [tilespmem:s23+$0xFFFFFFD0];
	[tilespmem:s11+$0xFFFFFFE0] =	vst v37;
	v29 =	vadd.f32 v29, v27  }
0xad: {  	v16 =	vsel vm3, v25, v16;
	s2 =	sadd.s32 $0xFFFFFFFC, s28;
	v32 =	vld [tilespmem:s19+$0xFFFFFFF0];
	v26 =	vadd.f32 v26, v30;
	v24 =	vmul.f32 v24, v24  }
.Ltmp2:
0xae: {  	v10 =	vsel vm3, s2, v10;
	vm2 =	vgt.f32 v37, v21;
	v27 =	vld [tilespmem:s20+$0xFFFFFFF0];
	v28 =	vmin.f32 v28, v29;
	(pc) =	sbr.rel @p0 .LBB2_5-.Ltmp2, $4  }
0xaf: {  	s2 =	sadd.s32 $0xFFFFFFFD, s28;
	v30 =	vsub.f32 v34, v2;
	v25 =	vld [tilespmem:s0+$0xFFFFFFD0];
	[tilespmem:s10+$0x0] =	vst v28;
	vm1 =	vgt.f32 v28, v20;
	v24 =	vadd.f32 v24, v26  }
0xb0: {  	v26 =	vsub.f32 v31, v3;
	v20 =	vsel vm1, v28, v20;
	v11 =	vsel vm1, s2, v11;
	v29 =	vld [tilespmem:s12+$0x10]  }
0xb1: {  	v33 =	vsub.f32 v33, v4;
	v31 =	vmul.f32 v30, v30;
	v28 =	vld [tilespmem:s17+$0xFFFFFFF0];
	v24 =	vmin.f32 v35, v24  }
0xb2: {  	v21 =	vsel vm2, v37, v21;
	s2 =	sadd.s32 $0xFFFFFFFB, s26;
	v32 =	vsub.f32 v32, v2;
	v30 =	vld [tilespmem:s14+$0x10];
	[tilespmem:s9+$0x20] =	vst v24;
	vm1 =	vgt.f32 v24, v7  }
0xb3: {  	v33 =	vmul.f32 v33, v33;
	_ =	sdelay $0x1  }
0xb4: {  	v26 =	vmul.f32 v26, v26;
	v31 =	vadd.f32 v33, v31;
	_ =	sdelay $0x1  }
0xb5: {  	v26 =	vadd.f32 v26, v31;
	_ =	sdelay $0x1  }
0xb6: {  	v25 =	vmin.f32 v25, v26  }
0xb7: {  	[tilespmem:s0+$0xFFFFFFD0] =	vst v25  }
0xb8: {  	v63 =	vld [tilespmem:s24+$0xFFFFFFE0]  }
0xb9: {  	v36 =	vld [tilespmem:s23+$0xFFFFFFE0];
	_ =	sdelay $0x1  }
0xba: {  	v37 =	vld [tilespmem:s21+$0xFFFFFFE0];
	_ =	sdelay $0x2  }
0xbb: {  	v26 =	vsub.f32 v63, v2;
	v31 =	vsub.f32 v36, v4;
	_ =	sdelay $0x1  }
0xbc: {  	v33 =	vsub.f32 v37, v3;
	v26 =	vmul.f32 v26, v26;
	v31 =	vmul.f32 v31, v31  }
0xbd: {  	v34 =	vld [tilespmem:s22+$0xFFFFFFE0]  }
0xbe: {  	v38 =	vmul.f32 v33, v33;
	v26 =	vadd.f32 v31, v26;
	_ =	sdelay $0x1  }
0xbf: {  	v26 =	vadd.f32 v38, v26;
	_ =	sdelay $0x1  }
0xc0: {  	v26 =	vmin.f32 v34, v26  }
0xc1: {  	[tilespmem:s22+$0xFFFFFFE0] =	vst v26  }
0xc2: {  	v39 =	vld [tilespmem:s24+$0xFFFFFFF0]  }
0xc3: {  	v40 =	vld [tilespmem:s23+$0xFFFFFFF0];
	_ =	sdelay $0x1  }
0xc4: {  	v27 =	vsub.f32 v27, v4;
	v41 =	vld [tilespmem:s21+$0xFFFFFFF0];
	_ =	sdelay $0x1  }
0xc5: {  	v32 =	vmul.f32 v32, v32;
	v27 =	vmul.f32 v27, v27;
	v28 =	vsub.f32 v28, v3  }
0xc6: {  	v35 =	vld [tilespmem:s11+$0xFFFFFFF0];
	v31 =	vsub.f32 v39, v2;
	v42 =	vsub.f32 v40, v4  }
0xc7: {  	v27 =	vadd.f32 v27, v32;
	v28 =	vmul.f32 v28, v28  }
0xc8: {  	v43 =	vsub.f32 v41, v3;
	v31 =	vmul.f32 v31, v31;
	v32 =	vmul.f32 v42, v42  }
0xc9: {  	v27 =	vadd.f32 v28, v27;
	v44 =	vld [tilespmem:s22+$0xFFFFFFF0]  }
0xca: {  	v45 =	vmul.f32 v43, v43;
	v31 =	vadd.f32 v32, v31  }
0xcb: {  	v28 =	vmin.f32 v35, v27  }
0xcc: {  	[tilespmem:s11+$0xFFFFFFF0] =	vst v28;
	v31 =	vadd.f32 v45, v31  }
0xcd: {  	v46 =	vld [tilespmem:s20+$0x0]  }
0xce: {  	v47 =	vld [tilespmem:s19+$0x0];
	v27 =	vmin.f32 v44, v31  }
0xcf: {  	v48 =	vld [tilespmem:s17+$0x0];
	[tilespmem:s22+$0xFFFFFFF0] =	vst v27  }
0xd0: {  	v49 =	vld [tilespmem:s23+$0x0]  }
0xd1: {  	v50 =	vld [tilespmem:s24+$0x0];
	_ =	sdelay $0x1  }
0xd2: {  	v33 =	vsub.f32 v46, v4;
	v34 =	vsub.f32 v47, v2;
	v36 =	vld [tilespmem:s21+$0x0];
	_ =	sdelay $0x1  }
0xd3: {  	v33 =	vmul.f32 v33, v33;
	v34 =	vmul.f32 v34, v34;
	v32 =	vsub.f32 v48, v3  }
0xd4: {  	v37 =	vld [tilespmem:s11+$0x0];
	v31 =	vsub.f32 v49, v4;
	v51 =	vsub.f32 v50, v2  }
0xd5: {  	v33 =	vadd.f32 v33, v34;
	v32 =	vmul.f32 v32, v32  }
0xd6: {  	v52 =	vld [tilespmem:s13+$0x10];
	v53 =	vsub.f32 v36, v3;
	v31 =	vmul.f32 v31, v31;
	v34 =	vmul.f32 v51, v51  }
0xd7: {  	v54 =	vld [tilespmem:s22+$0x0];
	v32 =	vadd.f32 v32, v33  }
0xd8: {  	v33 =	vmul.f32 v53, v53;
	v31 =	vadd.f32 v31, v34  }
0xd9: {  	v32 =	vmin.f32 v37, v32  }
0xda: {  	v58 =	vld [tilespmem:s10+$0x10];
	[tilespmem:s11+$0x0] =	vst v32;
	v31 =	vadd.f32 v33, v31  }
0xdb: {  	v30 =	vsub.f32 v30, v4;
	v35 =	vsub.f32 v52, v2;
	v56 =	vld [tilespmem:s19+$0x10]  }
0xdc: {  	v57 =	vsub.f32 v29, v3;
	v55 =	vld [tilespmem:s20+$0x10];
	v29 =	vmin.f32 v54, v31  }
0xdd: {  	v30 =	vmul.f32 v30, v30;
	v35 =	vmul.f32 v35, v35;
	v38 =	vld [tilespmem:s17+$0x10];
	[tilespmem:s22+$0x0] =	vst v29  }
0xde: {  	v59 =	vld [tilespmem:s23+$0x10]  }
0xdf: {  	v30 =	vadd.f32 v30, v35;
	v33 =	vmul.f32 v57, v57;
	v61 =	vld [tilespmem:s24+$0x10]  }
0xe0: {  	v60 =	vsub.f32 v56, v2  }
0xe1: {  	v34 =	vsub.f32 v55, v4;
	v30 =	vadd.f32 v33, v30;
	v63 =	vld [tilespmem:s21+$0x10]  }
0xe2: {  	v62 =	vsub.f32 v38, v3  }
0xe3: {  	v47 =	vld [tilespmem:s22+$0x10];
	v36 =	vmul.f32 v60, v60;
	v34 =	vmul.f32 v34, v34;
	v30 =	vmin.f32 v58, v30  }
0xe4: {  	v44 =	vld [tilespmem:s11+$0x10];
	[tilespmem:s10+$0x10] =	vst v30;
	v35 =	vsub.f32 v59, v4;
	v37 =	vsub.f32 v61, v2  }
0xe5: {  	v34 =	vadd.f32 v34, v36;
	v33 =	vmul.f32 v62, v62;
	v45 =	vld [tilespmem:s13+$0x20]  }
0xe6: {  	v40 =	vld [tilespmem:s14+$0x20];
	v38 =	vsub.f32 v63, v3;
	v35 =	vmul.f32 v35, v35;
	v37 =	vmul.f32 v37, v37  }
0xe7: {  	v41 =	vld [tilespmem:s16+$0x30];
	v33 =	vadd.f32 v33, v34  }
0xe8: {  	v46 =	vld [tilespmem:s12+$0x20];
	v48 =	vmul.f32 v38, v38;
	v35 =	vadd.f32 v35, v37  }
0xe9: {  	v14 =	vsel vm0, v17, v14;
	vm3 =	vgt.f32 v23, v12;
	v52 =	vld [tilespmem:s10+$0x20];
	v31 =	vmin.f32 v44, v33  }
0xea: {  	v23 =	vsel vm3, v23, v12;
	vm7 =	vgt.f32 v25, v14;
	v39 =	vld [tilespmem:s18+$0x30];
	[tilespmem:s11+$0x10] =	vst v31;
	v35 =	vadd.f32 v48, v35  }
0xeb: {  	vm14 =	vgt.f32 v28, v16;
	v49 =	vld [tilespmem:s19+$0x20];
	v36 =	vsub.f32 v45, v2;
	v40 =	vsub.f32 v40, v4  }
0xec: {  	vm8 =	vgt.f32 v26, v21;
	v41 =	vsub.f32 v41, v2;
	v42 =	vld [tilespmem:s20+$0x20];
	v33 =	vmin.f32 v47, v35  }
0xed: {  	v43 =	vld [tilespmem:s17+$0x20];
	v34 =	vsub.f32 v46, v3;
	v36 =	vmul.f32 v36, v36;
	v40 =	vmul.f32 v40, v40;
	[tilespmem:s22+$0x10] =	vst v33  }
0xee: {  	v14 =	vsel vm7, v25, v14;
	v16 =	vsel vm14, v28, v16;
	v21 =	vsel vm8, v26, v21;
	v53 =	vld [tilespmem:s24+$0x20]  }
0xef: {  	v41 =	vmul.f32 v41, v41;
	v34 =	vmul.f32 v34, v34;
	v36 =	vadd.f32 v40, v36;
	v44 =	vld [tilespmem:s23+$0x20]  }
0xf0: {  	vm9 =	vgt.f32 v27, v16;
	v50 =	vld [tilespmem:s15+$0x30];
	v51 =	vsub.f32 v39, v4;
	v38 =	vsub.f32 v49, v2  }
0xf1: {  	vm15 =	vgt.f32 v32, v20;
	v42 =	vsub.f32 v42, v4;
	v34 =	vadd.f32 v34, v36;
	v56 =	vld [tilespmem:s21+$0x20]  }
0xf2: {  	vm4 =	vgt.f32 v30, v18;
	v45 =	vimm.s32 $0x0;
	v55 =	vsub.f32 v43, v3  }
0xf3: {  	v39 =	vld [tilespmem:s10+$0x30];
	v54 =	vmul.f32 v38, v38;
	v42 =	vmul.f32 v42, v42;
	v34 =	vmin.f32 v52, v34  }
0xf4: {  	v57 =	vld [tilespmem:s11+$0x20];
	v45 =	vsel vm3, $0xFFFFFFFF, v45;
	[tilespmem:s10+$0x20] =	vst v34;
	v59 =	vsub.f32 v53, v2;
	v60 =	vsub.f32 v44, v4  }
0xf5: {  	v37 =	vsub.f32 v50, v3;
	v38 =	vmul.f32 v55, v55;
	v36 =	vadd.f32 v42, v54;
	v58 =	vld [tilespmem:s14+$0x30]  }
0xf6: {  	v61 =	vld [tilespmem:s13+$0x30];
	[tilespmem:$0x1FFC0] =	vst v45;
	v43 =	vsub.f32 v56, v3;
	v17 =	vmul.f32 v59, v59;
	v40 =	vmul.f32 v60, v60  }
0xf7: {  	v50 =	vimm.s32 $0x0;
	v35 =	vmul.f32 v51, v51;
	v36 =	vadd.f32 v38, v36;
	v46 =	vld [tilespmem:s22+$0x20]  }
0xf8: {  	v62 =	vld [tilespmem:s12+$0x30];
	v49 =	vmul.f32 v43, v43;
	v17 =	vadd.f32 v40, v17;
	v40 =	vsel vm14, $0xFFFFFFFF, v50  }
0xf9: {  	v55 =	vimm.s32 $0x0;
	v52 =	vimm.s32 $0x0;
	v47 =	vmin.f32 v57, v36;
	v48 =	vld [tilespmem:s11+$0x30];
	[tilespmem:$0x1FFE0] =	vst v40  }
0xfa: {  	v35 =	vadd.f32 v35, v41;
	v41 =	vsel vm4, $0xFFFFFFFF, v52;
	[tilespmem:s11+$0x20] =	vst v47;
	v17 =	vadd.f32 v49, v17  }
0xfb: {  	v18 =	vsel vm4, v30, v18;
	v37 =	vmul.f32 v37, v37;
	v30 =	vsel vm15, $0xFFFFFFFF, v55;
	v40 =	vld [tilespmem:s20+$0x30];
	[tilespmem:$0x1FFD0] =	vst v41  }
0xfc: {  	v16 =	vsel vm9, v27, v16;
	v20 =	vsel vm15, v32, v20;
	v54 =	vld [tilespmem:s19+$0x30];
	[tilespmem:$0x1FFF0] =	vst v30;
	v17 =	vmin.f32 v46, v17  }
0xfd: {  	vm12 =	vgt.f32 v29, v20;
	vm11 =	vgt.f32 v31, v18;
	v45 =	vadd.f32 v37, v35;
	[tilespmem:s22+$0x20] =	vst v17  }
0xfe: {  	v63 =	vsel vm1, v24, v7;
	v51 =	vsub.f32 v58, v4;
	v53 =	vsub.f32 v61, v2;
	v60 =	vld [tilespmem:s23+$0x30]  }
0xff: {  	v18 =	vsel vm11, v31, v18;
	vm10 =	vgt.f32 v34, v63;
	v7 =	vmin.f32 v22, v45;
	v61 =	vld [tilespmem:s24+$0x30]  }
0x100: {  	v45 =	vsel vm12, v29, v20;
	v22 =	vmul.f32 v51, v51;
	v57 =	vmul.f32 v53, v53;
	v59 =	vld [tilespmem:s17+$0x30]  }
0x101: {  	vm3 =	vgt.f32 v7, v19;
	v56 =	vsub.f32 v62, v3;
	v62 =	vsel vm10, v34, v63;
	v34 =	vld [tilespmem:s21+$0x30]  }
0x102: {  	v19 =	vsel vm3, v7, v19;
	vm13 =	vgt.f32 v47, v62;
	v22 =	vadd.f32 v22, v57  }
0x103: {  	vm14 =	vgt.f32 v33, v18;
	v38 =	vsub.f32 v40, v4;
	v40 =	vsub.f32 v54, v2  }
0x104: {  	v30 =	vmul.f32 v56, v56;
	v43 =	vsub.f32 v60, v4;
	v2 =	vsub.f32 v61, v2  }
0x105: {  	v26 =	vmul.f32 v38, v38;
	v24 =	vsub.f32 v59, v3;
	v42 =	vmul.f32 v40, v40  }
0x106: {  	v3 =	vsub.f32 v34, v3;
	v4 =	vmul.f32 v43, v43;
	v2 =	vmul.f32 v2, v2  }
0x107: {  	v63 =	vadd.f32 v30, v22;
	v24 =	vmul.f32 v24, v24;
	v26 =	vadd.f32 v26, v42  }
0x108: {  	v18 =	vsel vm14, v33, v18;
	v58 =	vld [tilespmem:s22+$0x30];
	v3 =	vmul.f32 v3, v3;
	v2 =	vadd.f32 v4, v2  }
0x109: {  	v46 =	vsel vm13, v47, v62;
	v12 =	vmin.f32 v39, v63;
	v44 =	vadd.f32 v24, v26  }
0x10a: {  	vm15 =	vgt.f32 v12, v19;
	v2 =	vadd.f32 v3, v2;
	v3 =	vmax.f32 v23, v14  }
0x10b: {  	v19 =	vsel vm15, v12, v19;
	v22 =	vmin.f32 v48, v44;
	v3 =	vmax.f32 v3, v21  }
0x10c: {  	vm4 =	vgt.f32 v17, v46;
	vm5 =	vgt.f32 v22, v19;
	v3 =	vmax.f32 v3, v16  }
0x10d: {  	v48 =	vld [tilespmem:$0x1FFC0];
	v19 =	vsel vm5, v22, v19;
	v2 =	vmin.f32 v58, v2;
	v3 =	vmax.f32 v3, v45  }
0x10e: {  	v17 =	vsel vm4, v17, v46;
	v51 =	vld [tilespmem:$0x1FFD0];
	vm6 =	vgt.f32 v2, v19;
	v3 =	vmax.f32 v3, v18  }
0x10f: {  	v19 =	vsel vm6, v2, v19;
	v3 =	vmax.f32 v3, v17  }
0x110: {  	s1 =	sadd.s32 $0xFFFFFFFF, s30;
	v50 =	vsel vm3, s30, v15;
	v52 =	vld [tilespmem:$0x1FFE0];
	v3 =	vmax.f32 v3, v19  }
0x111: {  	v49 =	vsel vm1, s1, v13;
	v53 =	vld [tilespmem:$0x1FFF0];
	v13 =	vsel vm15, s28, v50;
	(xrf0) =	vmax.scan.msk.f32 $0xffff, v3  }
0x112: {  	s14 =	sadd.s32 $0xFFFFFFF9, s25;
	v47 =	vsel vm0, s31, v6;
	v13 =	vsel vm5, s26, v13;
	vm0 =	vnez.u8 v48  }
0x113: {  	s15 =	sadd.s32 $0xFFFFFFFE, s28;
	s19 =	sadd.s32 $0xFFFFFFFF, s28;
	v13 =	vsel vm6, s25, v13;
	v6 =	vsel vm0, s14, v8;
	vm0 =	vnez.u8 v51  }
0x114: {  	s24 =	sadd.s32 $0xFFFFFFFF, s26;
	v8 =	vsel vm10, s19, v49;
	v3 =	vsel vm2, s2, v5;
	v9 =	vsel vm0, s15, v9  }
0x115: {  	s16 =	sadd.s32 $0xFFFFFFFC, s26;
	vm0 =	vnez.u8 v52;
	v5 =	vsel vm7, s29, v47;
	v8 =	vsel vm13, s24, v8  }
0x116: {  	s18 =	sadd.s32 $0xFFFFFFFB, s25;
	s20 =	sadd.s32 $0xFFFFFFFE, s26;
	v6 =	vshll.u32 v6, $0x4;
	v10 =	vsel vm0, s16, v10;
	vm0 =	vnez.u8 v53  }
0x117: {  	s29 =	sadd.s32 $0xFFFFFFFF, s25;
	v3 =	vsel vm8, s18, v3;
	v9 =	vsel vm11, s20, v9;
	v6 =	vor.u32 v1, v6;
	v54, _, _ =	vpop (xrf0)  }
0x118: {  	s17 =	sadd.s32 $0xFFFFFFFD, s26;
	s21 =	sadd.s32 $0xFFFFFFFC, s25;
	v8 =	vsel vm4, s29, v8;
	v5 =	vshll.u32 v5, $0x4;
	v15 =	vbroadcast v54, $0xF  }
0x119: {  	s28 =	sadd.s32 $0xFFFFFFFE, s25;
	v11 =	vsel vm0, s17, v11;
	v10 =	vsel vm9, s21, v10;
	vm7 =	vlt.s32 v6, $0x40000000  }
0x11a: {  	v9 =	vsel vm14, s28, v9;
	v6 =	vnsel vm7, $0x40000000, v6;
	vm8 =	veq.f32 v23, v15  }
0x11b: {  	s23 =	sadd.s32 $0xFFFFFFFD, s25;
	v5 =	vor.u32 v1, v5;
	v3 =	vshll.u32 v3, $0x4;
	v6 =	vnsel vm8, $0x40000000, v6  }
0x11c: {  	v11 =	vsel vm12, s23, v11;
	v3 =	vor.u32 v1, v3;
	vm1 =	vlt.s32 v6, v5  }
0x11d: {  	vm9 =	veq.f32 v14, v15;
	vm10 =	veq.f32 v21, v15;
	v5 =	vsel vm1, v6, v5  }
0x11e: {  	v55 =	vshll.u32 v10, $0x4;
	v3 =	vnsel vm10, $0x40000000, v3;
	v5 =	vsel vm9, v5, v6  }
0x11f: {  	vm11 =	veq.f32 v16, v15;
	v6 =	vor.u32 v1, v55;
	vm0 =	vlt.s32 v5, v3  }
0x120: {  	v57 =	vshll.u32 v11, $0x4;
	v56 =	vnsel vm11, $0x40000000, v6;
	v3 =	vsel vm0, v5, v3  }
0x121: {  	vm12 =	veq.f32 v45, v15;
	v6 =	vor.u32 v1, v57;
	vm0 =	vlt.s32 v3, v56  }
0x122: {  	v58 =	vshll.u32 v9, $0x4;
	v4 =	vnsel vm12, $0x40000000, v6;
	v3 =	vsel vm0, v3, v56  }
0x123: {  	vm13 =	veq.f32 v18, v15;
	v5 =	vor.u32 v1, v58;
	vm0 =	vlt.s32 v3, v4  }
0x124: {  	v60 =	vshll.u32 v8, $0x4;
	v59 =	vnsel vm13, $0x40000000, v5;
	v3 =	vsel vm0, v3, v4  }
0x125: {  	vm14 =	veq.f32 v17, v15;
	v5 =	vor.u32 v1, v60;
	vm0 =	vlt.s32 v3, v59  }
0x126: {  	v62 =	vshll.u32 v13, $0x4;
	v61 =	vnsel vm14, $0x40000000, v5;
	v3 =	vsel vm0, v3, v59  }
0x127: {  	vm15 =	veq.f32 v19, v15;
	v5 =	vor.u32 v1, v62;
	vm0 =	vlt.s32 v3, v61  }
0x128: {  	v63 =	vnsel vm15, $0x40000000, v5;
	v3 =	vsel vm0, v3, v61  }
0x129: {  	vm0 =	vlt.s32 v3, v63  }
0x12a: {  	v3 =	vsel vm0, v3, v63  }
0x12b: {  	v3 =	vxor.u32 $0x80000000, v3  }
0x12c: {  	(xrf0) =	vmin.scan.msk.u32 $0xffff, v3;
	_ =	sdelay $0x5  }
0x12d: {  	v3, _, _ =	vpop (xrf0)  }
0x12e: {  	(v2sf) =	vpush v3, $0xF;
	_ =	sdelay $0xc  }
0x12f: {  	v3 =	vmov s5;
	s5 =	sadd.s32 $0x1, s5  }
0x130: {  	p0 =	sne.s32 s5, $0x400  }
.Ltmp3:
0x131: {  	[tilespmem:s9+$0x30] =	vst v7;
	s30 =	spop (v2sf);
	(pc) =	sbr.rel @p0 .LBB2_4-.Ltmp3, $4  }
0x132: {  	[tilespmem:s10+$0x30] =	vst v12;
	s0 =	sxor.u32 $0x80000000, s30  }
0x133: {  	[tilespmem:s11+$0x30] =	vst v22;
	s31 =	sadd.s32 s3, s0  }
0x134: {  	[tilespmem:s22+$0x30] =	vst v2;
	v2 =	vmov s31  }
0x135: {  	[tilespmem:v3+s4+$0x0] =	vst.idx.msk $0x1, v2  }
0x136: {  	s0 =	simm.s32 $0x80;
	s1 =	simm.s32 $0x400  }
0x137: {  	s2 =	simm.s32 $0x4000;
	s3 =	rddreg [dreg:$0x3];
	s31 =	simm.s32 $0x1  }
0x138: {  	[hbm4b:s3+s0] =	stream.strided.scatter [tilespmem:s2], [sflag:$0x1], $0x400, s1, s0, $0x38;
	[tilespmem:$0x4400] =	vst v63  }
0x139: {  	_ =	swait.ge [sflag:s31], $0x400  }
0x13a: {  	[sflag:s31] =	ssyncset.done $0x0  }
0x13b: {  	[sflag:s31] =	ssyncadd.s32 $0xFFFFFC00  }
0x13c: {  	s7 =	stileid.u32;
	s4 =	rddreg [dreg:$0x2]  }
.LBB2_8:
0x13d: {  	_ =	sfence.sel $0x180000  }
0x13e: {  	[bflag:$0x0] =	sbarrier.arrive $0xFFFF  }
0x13f: {  	p0 =	sne.s32 s7, $0x0;
	_ =	strace $0x90000047  }
0x140: {  	s0 =	sadd.s32 @!p0 $0x100000, s4;
	[bflag:$0x2] =	sbarrier.arrive $0xFFFF  }
0x141: {  	[sflag:s0] =	ssyncadd.tile.s32 @!p0 $0x1;
	_ =	shalt  }
.Lfunc_end2:
_tile_overlayer_lowered:
.L_overlay_start_2:
0x142: {  	(tag) =	ssettag $0x2  }
0x143: {  	s0 =	rddreg [dreg:$0x0];
	s2 =	stileid.u32  }
0x144: {  	s1 =	rddreg [dreg:$0x1];
	p0 =	sne.s32 s2, $0x0  }
0x145: {  	s3 =	rddreg [dreg:$0x2];
	[bflag:$0x3] =	sbarrier.arrive $0xFFFF;
	s2 =	simm.s32 @!p0 $0x1C01  }
0x146: {  	[timem:s3], [sflag:s2] =	dma.local @!p0 [hbm:s0], s1  }
0x147: {  	s0 =	simm.s32 @!p0 $0x1  }
0x148: {  	_ =	swait.ge @!p0 [sflag:s0], s1  }
0x149: {  	s1 =	ssub.s32 @!p0 $0x0, s1;
	[sflag:s0] =	ssyncset.done @!p0 $0x0  }
0x14a: {  	[sflag:s0] =	ssyncadd.s32 @!p0 s1  }
0x14b: {  	[bflag:$0x3] =	sbarrier.arrive $0xFFFF  }
0x14c: {  	_ =	shalt  }

</sc_bundles>
